<compile_context>
chip_gen: v7x
topology: tpu7x:2x2x1
jax: 0.10.2.dev20260603
libtpu: 0.0.44.dev20260713+nightly
codegen_flags: <defaults>
</compile_context>

<pallas_src>
import functools

import jax
import jax.numpy as jnp
from jax import lax
from jax.experimental import pallas as pl
from jax.experimental.pallas import tpu as pltpu
from jax.experimental.pallas import tpu_sc as plsc
from jax._src.pallas import mpmd as _mpmd

NB = 4096
HID = 256
NLIN = NB * NB
NC = 2
NS = 16
NW = NC * NS
PT = 5248
NP = NW * PT
HA = 2560
HB = PT - HA
GB = 8


_mesh = plsc.VectorSubcoreMesh(core_axis_name="c", subcore_axis_name="s")


def _mlp_body(ppm, wi, bi, wo, bo, wd, bd, to_out, td_out):
    dn = (((1,), (1,)), ((), ()))
    x = jnp.tanh(
        lax.dot_general(ppm[...], wi[...], dn,
                        preferred_element_type=jnp.float32,
                        precision=lax.Precision.HIGHEST) + bi[...])
    to_out[...] = jnp.tanh(
        lax.dot_general(x, wo[...], dn,
                        preferred_element_type=jnp.float32,
                        precision=lax.Precision.HIGHEST) + bo[...])
    td_out[...] = jnp.tanh(
        lax.dot_general(x, wd[...], dn,
                        preferred_element_type=jnp.float32,
                        precision=lax.Precision.HIGHEST) + bd[...])


_mlp = pl.pallas_call(
    _mlp_body,
    out_shape=(jax.ShapeDtypeStruct((1, NB), jnp.float32),
               jax.ShapeDtypeStruct((1, NB), jnp.float32)),
    compiler_params=pltpu.CompilerParams(vmem_limit_bytes=100 * 1024 * 1024),
)


def _zeros_body(o_ref):
    o_ref[...] = jnp.zeros_like(o_ref)


_zeros = pl.pallas_call(
    _zeros_body,
    out_shape=jax.ShapeDtypeStruct((NLIN,), jnp.float32),
    grid=(GB,),
    out_specs=pl.BlockSpec((NLIN // GB,), lambda i: (i,)),
)


def _sum_body(x_ref, o_ref):
    o_ref[...] = jnp.full((1, 1, 128), jnp.sum(x_ref[...]), jnp.float32)


_sumk = pl.pallas_call(
    _sum_body,
    out_shape=jax.ShapeDtypeStruct((GB, 1, 128), jnp.float32),
    grid=(GB,),
    in_specs=[pl.BlockSpec((NLIN // GB,), lambda i: (i,))],
    out_specs=pl.BlockSpec((1, 1, 128), lambda i: (i, 0, 0)),
)


def _scale_body(x_ref, d_ref, o_ref):
    denom = jnp.sum(d_ref[...]) * (1.0 / 128.0)
    o_ref[...] = x_ref[...] * (1.0 / denom)


_scale = pl.pallas_call(
    _scale_body,
    out_shape=jax.ShapeDtypeStruct((NLIN,), jnp.float32),
    grid=(GB,),
    in_specs=[pl.BlockSpec((NLIN // GB,), lambda i: (i,)),
              pl.BlockSpec((GB, 1, 128), lambda i: (0, 0, 0))],
    out_specs=pl.BlockSpec((NLIN // GB,), lambda i: (i,)),
    input_output_aliases={0: 0},
)


def _wid():
    return lax.axis_index("s") * NC + lax.axis_index("c")


@functools.partial(
    pl.kernel,
    out_type=(jax.ShapeDtypeStruct((NW, PT), jnp.int32),
              jax.ShapeDtypeStruct((NW, PT), jnp.float32),
              jax.ShapeDtypeStruct((NW, 16), jnp.float32)),
    mesh=_mesh,
    compiler_params=pltpu.CompilerParams(needs_layout_passes=False),
    scratch_types=[pltpu.VMEM((PT,), jnp.int32),
                   pltpu.VMEM((PT,), jnp.int32),
                   pltpu.VMEM((NB,), jnp.float32),
                   pltpu.VMEM((NB,), jnp.float32),
                   pltpu.VMEM((PT,), jnp.int32),
                   pltpu.VMEM((PT,), jnp.float32),
                   pltpu.VMEM((16,), jnp.float32)],
)
def _prep(a0_hbm, a1_hbm, to_hbm, td_hbm,
          lin_hbm, val_hbm, tmax_hbm,
          a0v, a1v, tov, tdv, linv, valv, mx16):
    w = _wid()
    pltpu.sync_copy(a0_hbm.at[w], a0v)
    pltpu.sync_copy(a1_hbm.at[w], a1v)
    pltpu.sync_copy(to_hbm, tov)
    pltpu.sync_copy(td_hbm, tdv)

    def chunk(i, m):
        off = i * 16
        av = a0v[pl.ds(off, 16)]
        bv = a1v[pl.ds(off, 16)]
        linv[pl.ds(off, 16)] = av * NB + bv
        v = plsc.load_gather(tov, [av]) * plsc.load_gather(tdv, [bv])
        valv[pl.ds(off, 16)] = v
        return jnp.maximum(m, v)

    m16 = lax.fori_loop(0, PT // 16, chunk, jnp.full((16,), -2.0, jnp.float32))
    mx16[...] = jnp.broadcast_to(jnp.max(m16), (16,))
    pltpu.sync_copy(mx16, tmax_hbm.at[w])
    pltpu.sync_copy(linv, lin_hbm.at[w])
    pltpu.sync_copy(valv, val_hbm.at[w])


def _scatter_body(lin_hbm, val_hbm, tmax_hbm, zin_hbm, out_hbm,
                  linv, valv, evv, tmv, sem):
    del zin_hbm
    w = _wid()
    pltpu.sync_copy(lin_hbm.at[w], linv)
    pltpu.sync_copy(val_hbm.at[w], valv)
    pltpu.sync_copy(tmax_hbm, tmv)

    m16 = lax.fori_loop(0, NW, lambda r, mm: jnp.maximum(mm, tmv[r]),
                        jnp.full((16,), -2.0, jnp.float32))

    def chunk(i, c):
        off = i * 16
        evv[pl.ds(off, 16)] = jnp.exp(valv[pl.ds(off, 16)] - m16)
        return c

    lax.fori_loop(0, HA // 16, chunk, 0)
    pltpu.make_async_copy(evv.at[pl.ds(0, HA)],
                          out_hbm.at[linv.at[pl.ds(0, HA)]], sem.at[0]).start()
    lax.fori_loop(HA // 16, PT // 16, chunk, 0)
    pltpu.make_async_copy(evv.at[pl.ds(HA, HB)],
                          out_hbm.at[linv.at[pl.ds(HA, HB)]], sem.at[1]).start()
    pltpu.make_async_copy(evv.at[pl.ds(0, HA)],
                          out_hbm.at[linv.at[pl.ds(0, HA)]], sem.at[0]).wait()
    pltpu.make_async_copy(evv.at[pl.ds(HA, HB)],
                          out_hbm.at[linv.at[pl.ds(HA, HB)]], sem.at[1]).wait()


_scatter = _mpmd._mpmd_map(
    [(_mesh, _scatter_body)],
    jax.ShapeDtypeStruct((NLIN,), jnp.float32),
    input_output_aliases={3: 0},
    compiler_params=pltpu.CompilerParams(needs_layout_passes=False),
    scratch_types=[pltpu.VMEM((PT,), jnp.int32),
                   pltpu.VMEM((PT,), jnp.float32),
                   pltpu.VMEM((PT,), jnp.float32),
                   pltpu.VMEM((NW, 16), jnp.float32),
                   pltpu.SemaphoreType.DMA((2,))],
)


def kernel(possible_actions, player_presence_map, W_in, b_in, W_to, b_to,
           W_td, b_td):
    a0 = possible_actions[:, 0].astype(jnp.int32)
    a1 = possible_actions[:, 1].astype(jnp.int32)
    pad = NP - a0.shape[0]
    a0p = jnp.concatenate([a0, jnp.broadcast_to(a0[:1], (pad,))])
    a1p = jnp.concatenate([a1, jnp.broadcast_to(a1[:1], (pad,))])
    a0p = a0p.reshape(NW, PT)
    a1p = a1p.reshape(NW, PT)

    to2, td2 = _mlp(player_presence_map.reshape(1, NB), W_in,
                    b_in.reshape(1, HID), W_to, b_to.reshape(1, NB),
                    W_td, b_td.reshape(1, NB))
    to = to2.reshape(NB)
    td = td2.reshape(NB)

    zout = _zeros()
    lin, val, tmax = _prep(a0p, a1p, to, td)
    unnorm = _scatter(lin, val, tmax, zout)
    denom = _sumk(unnorm)
    out = _scale(unnorm, denom)
    return out.reshape(1, NLIN)

# --- scband reference (transcript-rebuilt; emitter-appended) ---
"""Pipeline reference for scband-attack-fortify-net-32744830665071 (READ-ONLY COPY).

The authoritative reference and input builder live on the scoring server;
editing this copy changes nothing except your own understanding.
"""

import jax, jax.numpy as jnp
import numpy as np

NB_TERR = 4096
HIDDEN = 256
N_ACTIONS = 167772

def setup_inputs(seed: int = 0) -> dict:
    key = jax.random.key(seed)
    ks = jax.random.split(key, 9)
    possible_actions = jax.random.randint(ks[0], (N_ACTIONS, 2), 0, NB_TERR, dtype=jnp.int64) if jax.config.jax_enable_x64 else jax.random.randint(ks[0], (N_ACTIONS, 2), 0, NB_TERR, dtype=jnp.int32)
    player_presence_map = jax.random.normal(ks[1], (NB_TERR,), dtype=jnp.float32)
    s_in = 1.0 / np.sqrt(NB_TERR)
    s_h = 1.0 / np.sqrt(HIDDEN)
    W_in = jax.random.uniform(ks[2], (HIDDEN, NB_TERR), jnp.float32, -s_in, s_in)
    b_in = jax.random.uniform(ks[3], (HIDDEN,), jnp.float32, -s_in, s_in)
    W_to = jax.random.uniform(ks[4], (NB_TERR, HIDDEN), jnp.float32, -s_h, s_h)
    b_to = jax.random.uniform(ks[5], (NB_TERR,), jnp.float32, -s_h, s_h)
    W_td = jax.random.uniform(ks[6], (NB_TERR, HIDDEN), jnp.float32, -s_h, s_h)
    b_td = jax.random.uniform(ks[7], (NB_TERR,), jnp.float32, -s_h, s_h)
    return {"possible_actions": possible_actions, "player_presence_map": player_presence_map,
            "W_in": W_in, "b_in": b_in, "W_to": W_to, "b_to": b_to, "W_td": W_td, "b_td": b_td}

def reference(possible_actions, player_presence_map, W_in, b_in, W_to, b_to, W_td, b_td):
    x = jnp.tanh(player_presence_map @ W_in.T + b_in)
    torig = jnp.tanh(x @ W_to.T + b_to)
    tdest = jnp.tanh(x @ W_td.T + b_td)
    embedding_mat = jnp.outer(torig, tdest)
    mask = jnp.zeros_like(embedding_mat).at[possible_actions[:, 0], possible_actions[:, 1]].set(1.0)
    embedding_mat = jnp.where(mask == 1, embedding_mat, jnp.zeros_like(embedding_mat) - 1000.0)
    embedding_mat = embedding_mat.reshape(-1)[None, :]
    actions_prob = jax.nn.softmax(embedding_mat, axis=1)
    return actions_prob

if __name__ == "__main__":
    import jax
    _d = setup_inputs()
    print(jax.jit(kernel)(*tuple(_d.values())))

</pallas_src>

<mosaic_0001>
#map = affine_map<(d0, d1) -> (0, 0)>
#map1 = affine_map<(d0, d1) -> (0)>
module attributes {stable_mosaic.version = 14 : i64} {
  func.func @_prep(%arg0: i32, %arg1: i32, %arg2: memref<32x5248xi32, #tpu.memory_space<hbm>>, %arg3: memref<32x5248xi32, #tpu.memory_space<hbm>>, %arg4: memref<4096xf32, #tpu.memory_space<hbm>>, %arg5: memref<4096xf32, #tpu.memory_space<hbm>>, %arg6: memref<32x5248xi32, #tpu.memory_space<hbm>>, %arg7: memref<32x5248xf32, #tpu.memory_space<hbm>>, %arg8: memref<32x16xf32, #tpu.memory_space<hbm>>, %arg9: memref<5248xi32, #tpu.memory_space<vmem>>, %arg10: memref<5248xi32, #tpu.memory_space<vmem>>, %arg11: memref<4096xf32, #tpu.memory_space<vmem>>, %arg12: memref<4096xf32, #tpu.memory_space<vmem>>, %arg13: memref<5248xi32, #tpu.memory_space<vmem>>, %arg14: memref<5248xf32, #tpu.memory_space<vmem>>, %arg15: memref<16xf32, #tpu.memory_space<vmem>>) attributes {dimension_semantics = [#tpu.dimension_semantics<core_parallel>, #tpu.dimension_semantics<subcore_parallel>], iteration_bounds = array<i64: 2, 16>, scalar_prefetch = 0 : i64, scratch_operands = 7 : i64, tpu.core_type = #tpu.core_type<sc_vector_subcore>, window_params = [{transform_indices = #map}, {transform_indices = #map}, {transform_indices = #map1}, {transform_indices = #map1}, {transform_indices = #map}, {transform_indices = #map}, {transform_indices = #map}]} {
    %mul3A = arith.constant 2 : i32
    %mul3A_0 = arith.muli %arg1, %mul3A : i32
    %add3A = arith.addi %mul3A_0, %arg0 : i32
    "tpu.region"() ({
      %run_scoped3A = tpu.sem_alloc : memref<!tpu.dma_semaphore, #tpu.memory_space<semaphore_mem>>
      %dma_start3A = arith.constant 0 : i32
      %dma_start3A_12 = tpu.memref_slice %arg2[%add3A, %dma_start3A] : memref<32x5248xi32, #tpu.memory_space<hbm>> -> memref<1x5248xi32, #tpu.memory_space<hbm>>
      %dma_start3A_13 = tpu.memref_squeeze %dma_start3A_12 : memref<1x5248xi32, #tpu.memory_space<hbm>> -> memref<5248xi32, #tpu.memory_space<hbm>>
      %dma_start3A_14 = arith.constant 0 : i32
      %dma_start3A_15 = tpu.memref_slice %arg2[%add3A, %dma_start3A_14] : memref<32x5248xi32, #tpu.memory_space<hbm>> -> memref<1x5248xi32, #tpu.memory_space<hbm>>
      %dma_start3A_16 = tpu.memref_squeeze %dma_start3A_15 : memref<1x5248xi32, #tpu.memory_space<hbm>> -> memref<5248xi32, #tpu.memory_space<hbm>>
      tpu.enqueue_dma source(%dma_start3A_16 : memref<5248xi32, #tpu.memory_space<hbm>>) target(%arg9 : memref<5248xi32, #tpu.memory_space<vmem>>) target_semaphore(%run_scoped3A : memref<!tpu.dma_semaphore, #tpu.memory_space<semaphore_mem>>)
      %dma_wait3A = arith.constant 0 : i32
      %dma_wait3A_17 = tpu.memref_slice %arg2[%add3A, %dma_wait3A] : memref<32x5248xi32, #tpu.memory_space<hbm>> -> memref<1x5248xi32, #tpu.memory_space<hbm>>
      %dma_wait3A_18 = tpu.memref_squeeze %dma_wait3A_17 : memref<1x5248xi32, #tpu.memory_space<hbm>> -> memref<5248xi32, #tpu.memory_space<hbm>>
      %dma_wait3A_19 = arith.constant 0 : i32
      %dma_wait3A_20 = tpu.memref_slice %arg2[%add3A, %dma_wait3A_19] : memref<32x5248xi32, #tpu.memory_space<hbm>> -> memref<1x5248xi32, #tpu.memory_space<hbm>>
      %dma_wait3A_21 = tpu.memref_squeeze %dma_wait3A_20 : memref<1x5248xi32, #tpu.memory_space<hbm>> -> memref<5248xi32, #tpu.memory_space<hbm>>
      tpu.wait_dma2 semaphore(%run_scoped3A : memref<!tpu.dma_semaphore, #tpu.memory_space<semaphore_mem>>) src(%dma_wait3A_21 : memref<5248xi32, #tpu.memory_space<hbm>>) dst(%arg9 : memref<5248xi32, #tpu.memory_space<vmem>>)
      tpu.yield
    }) : () -> ()
    "tpu.region"() ({
      %run_scoped3A = tpu.sem_alloc : memref<!tpu.dma_semaphore, #tpu.memory_space<semaphore_mem>>
      %dma_start3A = arith.constant 0 : i32
      %dma_start3A_12 = tpu.memref_slice %arg3[%add3A, %dma_start3A] : memref<32x5248xi32, #tpu.memory_space<hbm>> -> memref<1x5248xi32, #tpu.memory_space<hbm>>
      %dma_start3A_13 = tpu.memref_squeeze %dma_start3A_12 : memref<1x5248xi32, #tpu.memory_space<hbm>> -> memref<5248xi32, #tpu.memory_space<hbm>>
      %dma_start3A_14 = arith.constant 0 : i32
      %dma_start3A_15 = tpu.memref_slice %arg3[%add3A, %dma_start3A_14] : memref<32x5248xi32, #tpu.memory_space<hbm>> -> memref<1x5248xi32, #tpu.memory_space<hbm>>
      %dma_start3A_16 = tpu.memref_squeeze %dma_start3A_15 : memref<1x5248xi32, #tpu.memory_space<hbm>> -> memref<5248xi32, #tpu.memory_space<hbm>>
      tpu.enqueue_dma source(%dma_start3A_16 : memref<5248xi32, #tpu.memory_space<hbm>>) target(%arg10 : memref<5248xi32, #tpu.memory_space<vmem>>) target_semaphore(%run_scoped3A : memref<!tpu.dma_semaphore, #tpu.memory_space<semaphore_mem>>)
      %dma_wait3A = arith.constant 0 : i32
      %dma_wait3A_17 = tpu.memref_slice %arg3[%add3A, %dma_wait3A] : memref<32x5248xi32, #tpu.memory_space<hbm>> -> memref<1x5248xi32, #tpu.memory_space<hbm>>
      %dma_wait3A_18 = tpu.memref_squeeze %dma_wait3A_17 : memref<1x5248xi32, #tpu.memory_space<hbm>> -> memref<5248xi32, #tpu.memory_space<hbm>>
      %dma_wait3A_19 = arith.constant 0 : i32
      %dma_wait3A_20 = tpu.memref_slice %arg3[%add3A, %dma_wait3A_19] : memref<32x5248xi32, #tpu.memory_space<hbm>> -> memref<1x5248xi32, #tpu.memory_space<hbm>>
      %dma_wait3A_21 = tpu.memref_squeeze %dma_wait3A_20 : memref<1x5248xi32, #tpu.memory_space<hbm>> -> memref<5248xi32, #tpu.memory_space<hbm>>
      tpu.wait_dma2 semaphore(%run_scoped3A : memref<!tpu.dma_semaphore, #tpu.memory_space<semaphore_mem>>) src(%dma_wait3A_21 : memref<5248xi32, #tpu.memory_space<hbm>>) dst(%arg10 : memref<5248xi32, #tpu.memory_space<vmem>>)
      tpu.yield
    }) : () -> ()
    "tpu.region"() ({
      %run_scoped3A = tpu.sem_alloc : memref<!tpu.dma_semaphore, #tpu.memory_space<semaphore_mem>>
      tpu.enqueue_dma source(%arg4 : memref<4096xf32, #tpu.memory_space<hbm>>) target(%arg11 : memref<4096xf32, #tpu.memory_space<vmem>>) target_semaphore(%run_scoped3A : memref<!tpu.dma_semaphore, #tpu.memory_space<semaphore_mem>>)
      tpu.wait_dma2 semaphore(%run_scoped3A : memref<!tpu.dma_semaphore, #tpu.memory_space<semaphore_mem>>) src(%arg4 : memref<4096xf32, #tpu.memory_space<hbm>>) dst(%arg11 : memref<4096xf32, #tpu.memory_space<vmem>>)
      tpu.yield
    }) : () -> ()
    "tpu.region"() ({
      %run_scoped3A = tpu.sem_alloc : memref<!tpu.dma_semaphore, #tpu.memory_space<semaphore_mem>>
      tpu.enqueue_dma source(%arg5 : memref<4096xf32, #tpu.memory_space<hbm>>) target(%arg12 : memref<4096xf32, #tpu.memory_space<vmem>>) target_semaphore(%run_scoped3A : memref<!tpu.dma_semaphore, #tpu.memory_space<semaphore_mem>>)
      tpu.wait_dma2 semaphore(%run_scoped3A : memref<!tpu.dma_semaphore, #tpu.memory_space<semaphore_mem>>) src(%arg5 : memref<4096xf32, #tpu.memory_space<hbm>>) dst(%arg12 : memref<4096xf32, #tpu.memory_space<vmem>>)
      tpu.yield
    }) : () -> ()
    %broadcast_in_dim3A = arith.constant -2.000000e+00 : f32
    %broadcast_in_dim3A_1 = vector.broadcast %broadcast_in_dim3A : f32 to vector<16xf32>
    %scan3A = arith.constant 0 : i32
    %scan3A_2 = arith.constant 328 : i32
    %scan3A_3 = arith.addi %scan3A, %scan3A_2 : i32
    %scan3A_4 = arith.constant 1 : i32
    %scan3A_5 = scf.for %scan3A_12 = %scan3A to %scan3A_3 step %scan3A_4 iter_args(%scan3A_13 = %broadcast_in_dim3A_1) -> (vector<16xf32>)  : i32 {
      %mul3A_14 = arith.constant 16 : i32
      %mul3A_15 = arith.muli %scan3A_12, %mul3A_14 : i32
      %get3A = arith.index_cast %mul3A_15 : i32 to index
      %get3A_16 = tpu.vector_load %arg9[%get3A] {strides = array<i32>} : memref<5248xi32, #tpu.memory_space<vmem>>, vector<16xi32>,
      %get3A_17 = arith.index_cast %mul3A_15 : i32 to index
      %get3A_18 = tpu.vector_load %arg10[%get3A_17] {strides = array<i32>} : memref<5248xi32, #tpu.memory_space<vmem>>, vector<16xi32>,
      %mul3A_19 = arith.constant 4096 : i32
      %mul3A_20 = vector.broadcast %mul3A_19 : i32 to vector<16xi32>
      %mul3A_21 = arith.muli %get3A_16, %mul3A_20 : vector<16xi32>
      %add3A_22 = arith.addi %mul3A_21, %get3A_18 : vector<16xi32>
      %swap3A_23 = arith.index_cast %mul3A_15 : i32 to index
      %swap3A_24 = tpu.vector_load %arg13[%swap3A_23] {strides = array<i32>} : memref<5248xi32, #tpu.memory_space<vmem>>, vector<16xi32>,
      tpu.vector_store %arg13[%swap3A_23], %add3A_22 {strides = array<i32>} : memref<5248xi32, #tpu.memory_space<vmem>>, vector<16xi32>,
      %gather3A = tpu.vector_load_idx %arg11[%get3A_16] : memref<4096xf32, #tpu.memory_space<vmem>>[vector<16xi32>], vector<16xf32>,
      %gather3A_25 = tpu.vector_load_idx %arg12[%get3A_18] : memref<4096xf32, #tpu.memory_space<vmem>>[vector<16xi32>], vector<16xf32>,
      %mul3A_26 = arith.mulf %gather3A, %gather3A_25 : vector<16xf32>
      %swap3A_27 = arith.index_cast %mul3A_15 : i32 to index
      %swap3A_28 = tpu.vector_load %arg14[%swap3A_27] {strides = array<i32>} : memref<5248xf32, #tpu.memory_space<vmem>>, vector<16xf32>,
      tpu.vector_store %arg14[%swap3A_27], %mul3A_26 {strides = array<i32>} : memref<5248xf32, #tpu.memory_space<vmem>>, vector<16xf32>,
      %max3A = arith.maximumf %scan3A_13, %mul3A_26 : vector<16xf32>
      scf.yield %max3A : vector<16xf32>
    }
    %scan3A_6 = arith.constant 328 : i32
    %reduce_max3A = arith.constant true
    %reduce_max3A_7 = vector.broadcast %reduce_max3A : i1 to vector<16xi1>
    %reduce_max3A_8 = tpu.scan <max>, %scan3A_5 masked %reduce_max3A_7 : vector<16xf32>, vector<16xi1> -> vector<16xf32>
    %reduce_max3A_9 = vector.extract %reduce_max3A_8[15] : f32 from vector<16xf32>
    %broadcast_in_dim3A_10 = vector.broadcast %reduce_max3A_9 : f32 to vector<16xf32>
    %swap3A = arith.constant 0 : index
    %swap3A_11 = tpu.vector_load %arg15[%swap3A] {strides = array<i32>} : memref<16xf32, #tpu.memory_space<vmem>>, vector<16xf32>,
    tpu.vector_store %arg15[%swap3A], %broadcast_in_dim3A_10 {strides = array<i32>} : memref<16xf32, #tpu.memory_space<vmem>>, vector<16xf32>,
    "tpu.region"() ({
      %run_scoped3A = tpu.sem_alloc : memref<!tpu.dma_semaphore, #tpu.memory_space<semaphore_mem>>
      %dma_start3A = arith.constant 0 : i32
      %dma_start3A_12 = tpu.memref_slice %arg8[%add3A, %dma_start3A] : memref<32x16xf32, #tpu.memory_space<hbm>> -> memref<1x16xf32, #tpu.memory_space<hbm>>
      %dma_start3A_13 = tpu.memref_squeeze %dma_start3A_12 : memref<1x16xf32, #tpu.memory_space<hbm>> -> memref<16xf32, #tpu.memory_space<hbm>>
      %dma_start3A_14 = arith.constant 0 : i32
      %dma_start3A_15 = tpu.memref_slice %arg8[%add3A, %dma_start3A_14] : memref<32x16xf32, #tpu.memory_space<hbm>> -> memref<1x16xf32, #tpu.memory_space<hbm>>
      %dma_start3A_16 = tpu.memref_squeeze %dma_start3A_15 : memref<1x16xf32, #tpu.memory_space<hbm>> -> memref<16xf32, #tpu.memory_space<hbm>>
      tpu.enqueue_dma source(%arg15 : memref<16xf32, #tpu.memory_space<vmem>>) target(%dma_start3A_16 : memref<16xf32, #tpu.memory_space<hbm>>) target_semaphore(%run_scoped3A : memref<!tpu.dma_semaphore, #tpu.memory_space<semaphore_mem>>)
      %dma_wait3A = arith.constant 0 : i32
      %dma_wait3A_17 = tpu.memref_slice %arg8[%add3A, %dma_wait3A] : memref<32x16xf32, #tpu.memory_space<hbm>> -> memref<1x16xf32, #tpu.memory_space<hbm>>
      %dma_wait3A_18 = tpu.memref_squeeze %dma_wait3A_17 : memref<1x16xf32, #tpu.memory_space<hbm>> -> memref<16xf32, #tpu.memory_space<hbm>>
      %dma_wait3A_19 = arith.constant 0 : i32
      %dma_wait3A_20 = tpu.memref_slice %arg8[%add3A, %dma_wait3A_19] : memref<32x16xf32, #tpu.memory_space<hbm>> -> memref<1x16xf32, #tpu.memory_space<hbm>>
      %dma_wait3A_21 = tpu.memref_squeeze %dma_wait3A_20 : memref<1x16xf32, #tpu.memory_space<hbm>> -> memref<16xf32, #tpu.memory_space<hbm>>
      tpu.wait_dma2 semaphore(%run_scoped3A : memref<!tpu.dma_semaphore, #tpu.memory_space<semaphore_mem>>) src(%arg15 : memref<16xf32, #tpu.memory_space<vmem>>) dst(%dma_wait3A_21 : memref<16xf32, #tpu.memory_space<hbm>>)
      tpu.yield
    }) : () -> ()
    "tpu.region"() ({
      %run_scoped3A = tpu.sem_alloc : memref<!tpu.dma_semaphore, #tpu.memory_space<semaphore_mem>>
      %dma_start3A = arith.constant 0 : i32
      %dma_start3A_12 = tpu.memref_slice %arg6[%add3A, %dma_start3A] : memref<32x5248xi32, #tpu.memory_space<hbm>> -> memref<1x5248xi32, #tpu.memory_space<hbm>>
      %dma_start3A_13 = tpu.memref_squeeze %dma_start3A_12 : memref<1x5248xi32, #tpu.memory_space<hbm>> -> memref<5248xi32, #tpu.memory_space<hbm>>
      %dma_start3A_14 = arith.constant 0 : i32
      %dma_start3A_15 = tpu.memref_slice %arg6[%add3A, %dma_start3A_14] : memref<32x5248xi32, #tpu.memory_space<hbm>> -> memref<1x5248xi32, #tpu.memory_space<hbm>>
      %dma_start3A_16 = tpu.memref_squeeze %dma_start3A_15 : memref<1x5248xi32, #tpu.memory_space<hbm>> -> memref<5248xi32, #tpu.memory_space<hbm>>
      tpu.enqueue_dma source(%arg13 : memref<5248xi32, #tpu.memory_space<vmem>>) target(%dma_start3A_16 : memref<5248xi32, #tpu.memory_space<hbm>>) target_semaphore(%run_scoped3A : memref<!tpu.dma_semaphore, #tpu.memory_space<semaphore_mem>>)
      %dma_wait3A = arith.constant 0 : i32
      %dma_wait3A_17 = tpu.memref_slice %arg6[%add3A, %dma_wait3A] : memref<32x5248xi32, #tpu.memory_space<hbm>> -> memref<1x5248xi32, #tpu.memory_space<hbm>>
      %dma_wait3A_18 = tpu.memref_squeeze %dma_wait3A_17 : memref<1x5248xi32, #tpu.memory_space<hbm>> -> memref<5248xi32, #tpu.memory_space<hbm>>
      %dma_wait3A_19 = arith.constant 0 : i32
      %dma_wait3A_20 = tpu.memref_slice %arg6[%add3A, %dma_wait3A_19] : memref<32x5248xi32, #tpu.memory_space<hbm>> -> memref<1x5248xi32, #tpu.memory_space<hbm>>
      %dma_wait3A_21 = tpu.memref_squeeze %dma_wait3A_20 : memref<1x5248xi32, #tpu.memory_space<hbm>> -> memref<5248xi32, #tpu.memory_space<hbm>>
      tpu.wait_dma2 semaphore(%run_scoped3A : memref<!tpu.dma_semaphore, #tpu.memory_space<semaphore_mem>>) src(%arg13 : memref<5248xi32, #tpu.memory_space<vmem>>) dst(%dma_wait3A_21 : memref<5248xi32, #tpu.memory_space<hbm>>)
      tpu.yield
    }) : () -> ()
    "tpu.region"() ({
      %run_scoped3A = tpu.sem_alloc : memref<!tpu.dma_semaphore, #tpu.memory_space<semaphore_mem>>
      %dma_start3A = arith.constant 0 : i32
      %dma_start3A_12 = tpu.memref_slice %arg7[%add3A, %dma_start3A] : memref<32x5248xf32, #tpu.memory_space<hbm>> -> memref<1x5248xf32, #tpu.memory_space<hbm>>
      %dma_start3A_13 = tpu.memref_squeeze %dma_start3A_12 : memref<1x5248xf32, #tpu.memory_space<hbm>> -> memref<5248xf32, #tpu.memory_space<hbm>>
      %dma_start3A_14 = arith.constant 0 : i32
      %dma_start3A_15 = tpu.memref_slice %arg7[%add3A, %dma_start3A_14] : memref<32x5248xf32, #tpu.memory_space<hbm>> -> memref<1x5248xf32, #tpu.memory_space<hbm>>
      %dma_start3A_16 = tpu.memref_squeeze %dma_start3A_15 : memref<1x5248xf32, #tpu.memory_space<hbm>> -> memref<5248xf32, #tpu.memory_space<hbm>>
      tpu.enqueue_dma source(%arg14 : memref<5248xf32, #tpu.memory_space<vmem>>) target(%dma_start3A_16 : memref<5248xf32, #tpu.memory_space<hbm>>) target_semaphore(%run_scoped3A : memref<!tpu.dma_semaphore, #tpu.memory_space<semaphore_mem>>)
      %dma_wait3A = arith.constant 0 : i32
      %dma_wait3A_17 = tpu.memref_slice %arg7[%add3A, %dma_wait3A] : memref<32x5248xf32, #tpu.memory_space<hbm>> -> memref<1x5248xf32, #tpu.memory_space<hbm>>
      %dma_wait3A_18 = tpu.memref_squeeze %dma_wait3A_17 : memref<1x5248xf32, #tpu.memory_space<hbm>> -> memref<5248xf32, #tpu.memory_space<hbm>>
      %dma_wait3A_19 = arith.constant 0 : i32
      %dma_wait3A_20 = tpu.memref_slice %arg7[%add3A, %dma_wait3A_19] : memref<32x5248xf32, #tpu.memory_space<hbm>> -> memref<1x5248xf32, #tpu.memory_space<hbm>>
      %dma_wait3A_21 = tpu.memref_squeeze %dma_wait3A_20 : memref<1x5248xf32, #tpu.memory_space<hbm>> -> memref<5248xf32, #tpu.memory_space<hbm>>
      tpu.wait_dma2 semaphore(%run_scoped3A : memref<!tpu.dma_semaphore, #tpu.memory_space<semaphore_mem>>) src(%arg14 : memref<5248xf32, #tpu.memory_space<vmem>>) dst(%dma_wait3A_21 : memref<5248xf32, #tpu.memory_space<hbm>>)
      tpu.yield
    }) : () -> ()
    return
  }
}

#map = affine_map<(d0, d1) -> (0, 0)>
#map1 = affine_map<(d0, d1) -> (0)>
module attributes {stable_mosaic.version = 14 : i64} {
  func.func @_scatter_body(%arg0: i32, %arg1: i32, %arg2: memref<32x5248xi32, #tpu.memory_space<hbm>>, %arg3: memref<32x5248xf32, #tpu.memory_space<hbm>>, %arg4: memref<32x16xf32, #tpu.memory_space<hbm>>, %arg5: memref<16777216xf32, #tpu.memory_space<hbm>>, %arg6: memref<16777216xf32, #tpu.memory_space<hbm>>, %arg7: memref<5248xi32, #tpu.memory_space<vmem>>, %arg8: memref<5248xf32, #tpu.memory_space<vmem>>, %arg9: memref<5248xf32, #tpu.memory_space<vmem>>, %arg10: memref<32x16xf32, #tpu.memory_space<vmem>>, %arg11: memref<2x!tpu.dma_semaphore, #tpu.memory_space<semaphore_mem>>) attributes {dimension_semantics = [#tpu.dimension_semantics<core_parallel>, #tpu.dimension_semantics<subcore_parallel>], iteration_bounds = array<i64: 2, 16>, scalar_prefetch = 0 : i64, scratch_operands = 5 : i64, tpu.core_type = #tpu.core_type<sc_vector_subcore>, window_params = [{transform_indices = #map}, {transform_indices = #map}, {transform_indices = #map}, {transform_indices = #map1}, {transform_indices = #map1}]} {
    %mul3A = arith.constant 2 : i32
    %mul3A_0 = arith.muli %arg1, %mul3A : i32
    %add3A = arith.addi %mul3A_0, %arg0 : i32
    "tpu.region"() ({
      %run_scoped3A = tpu.sem_alloc : memref<!tpu.dma_semaphore, #tpu.memory_space<semaphore_mem>>
      %dma_start3A_53 = arith.constant 0 : i32
      %dma_start3A_54 = tpu.memref_slice %arg2[%add3A, %dma_start3A_53] : memref<32x5248xi32, #tpu.memory_space<hbm>> -> memref<1x5248xi32, #tpu.memory_space<hbm>>
      %dma_start3A_55 = tpu.memref_squeeze %dma_start3A_54 : memref<1x5248xi32, #tpu.memory_space<hbm>> -> memref<5248xi32, #tpu.memory_space<hbm>>
      %dma_start3A_56 = arith.constant 0 : i32
      %dma_start3A_57 = tpu.memref_slice %arg2[%add3A, %dma_start3A_56] : memref<32x5248xi32, #tpu.memory_space<hbm>> -> memref<1x5248xi32, #tpu.memory_space<hbm>>
      %dma_start3A_58 = tpu.memref_squeeze %dma_start3A_57 : memref<1x5248xi32, #tpu.memory_space<hbm>> -> memref<5248xi32, #tpu.memory_space<hbm>>
      tpu.enqueue_dma source(%dma_start3A_58 : memref<5248xi32, #tpu.memory_space<hbm>>) target(%arg7 : memref<5248xi32, #tpu.memory_space<vmem>>) target_semaphore(%run_scoped3A : memref<!tpu.dma_semaphore, #tpu.memory_space<semaphore_mem>>)
      %dma_wait3A_59 = arith.constant 0 : i32
      %dma_wait3A_60 = tpu.memref_slice %arg2[%add3A, %dma_wait3A_59] : memref<32x5248xi32, #tpu.memory_space<hbm>> -> memref<1x5248xi32, #tpu.memory_space<hbm>>
      %dma_wait3A_61 = tpu.memref_squeeze %dma_wait3A_60 : memref<1x5248xi32, #tpu.memory_space<hbm>> -> memref<5248xi32, #tpu.memory_space<hbm>>
      %dma_wait3A_62 = arith.constant 0 : i32
      %dma_wait3A_63 = tpu.memref_slice %arg2[%add3A, %dma_wait3A_62] : memref<32x5248xi32, #tpu.memory_space<hbm>> -> memref<1x5248xi32, #tpu.memory_space<hbm>>
      %dma_wait3A_64 = tpu.memref_squeeze %dma_wait3A_63 : memref<1x5248xi32, #tpu.memory_space<hbm>> -> memref<5248xi32, #tpu.memory_space<hbm>>
      tpu.wait_dma2 semaphore(%run_scoped3A : memref<!tpu.dma_semaphore, #tpu.memory_space<semaphore_mem>>) src(%dma_wait3A_64 : memref<5248xi32, #tpu.memory_space<hbm>>) dst(%arg7 : memref<5248xi32, #tpu.memory_space<vmem>>)
      tpu.yield
    }) : () -> ()
    "tpu.region"() ({
      %run_scoped3A = tpu.sem_alloc : memref<!tpu.dma_semaphore, #tpu.memory_space<semaphore_mem>>
      %dma_start3A_53 = arith.constant 0 : i32
      %dma_start3A_54 = tpu.memref_slice %arg3[%add3A, %dma_start3A_53] : memref<32x5248xf32, #tpu.memory_space<hbm>> -> memref<1x5248xf32, #tpu.memory_space<hbm>>
      %dma_start3A_55 = tpu.memref_squeeze %dma_start3A_54 : memref<1x5248xf32, #tpu.memory_space<hbm>> -> memref<5248xf32, #tpu.memory_space<hbm>>
      %dma_start3A_56 = arith.constant 0 : i32
      %dma_start3A_57 = tpu.memref_slice %arg3[%add3A, %dma_start3A_56] : memref<32x5248xf32, #tpu.memory_space<hbm>> -> memref<1x5248xf32, #tpu.memory_space<hbm>>
      %dma_start3A_58 = tpu.memref_squeeze %dma_start3A_57 : memref<1x5248xf32, #tpu.memory_space<hbm>> -> memref<5248xf32, #tpu.memory_space<hbm>>
      tpu.enqueue_dma source(%dma_start3A_58 : memref<5248xf32, #tpu.memory_space<hbm>>) target(%arg8 : memref<5248xf32, #tpu.memory_space<vmem>>) target_semaphore(%run_scoped3A : memref<!tpu.dma_semaphore, #tpu.memory_space<semaphore_mem>>)
      %dma_wait3A_59 = arith.constant 0 : i32
      %dma_wait3A_60 = tpu.memref_slice %arg3[%add3A, %dma_wait3A_59] : memref<32x5248xf32, #tpu.memory_space<hbm>> -> memref<1x5248xf32, #tpu.memory_space<hbm>>
      %dma_wait3A_61 = tpu.memref_squeeze %dma_wait3A_60 : memref<1x5248xf32, #tpu.memory_space<hbm>> -> memref<5248xf32, #tpu.memory_space<hbm>>
      %dma_wait3A_62 = arith.constant 0 : i32
      %dma_wait3A_63 = tpu.memref_slice %arg3[%add3A, %dma_wait3A_62] : memref<32x5248xf32, #tpu.memory_space<hbm>> -> memref<1x5248xf32, #tpu.memory_space<hbm>>
      %dma_wait3A_64 = tpu.memref_squeeze %dma_wait3A_63 : memref<1x5248xf32, #tpu.memory_space<hbm>> -> memref<5248xf32, #tpu.memory_space<hbm>>
      tpu.wait_dma2 semaphore(%run_scoped3A : memref<!tpu.dma_semaphore, #tpu.memory_space<semaphore_mem>>) src(%dma_wait3A_64 : memref<5248xf32, #tpu.memory_space<hbm>>) dst(%arg8 : memref<5248xf32, #tpu.memory_space<vmem>>)
      tpu.yield
    }) : () -> ()
    "tpu.region"() ({
      %run_scoped3A = tpu.sem_alloc : memref<!tpu.dma_semaphore, #tpu.memory_space<semaphore_mem>>
      tpu.enqueue_dma source(%arg4 : memref<32x16xf32, #tpu.memory_space<hbm>>) target(%arg10 : memref<32x16xf32, #tpu.memory_space<vmem>>) target_semaphore(%run_scoped3A : memref<!tpu.dma_semaphore, #tpu.memory_space<semaphore_mem>>)
      tpu.wait_dma2 semaphore(%run_scoped3A : memref<!tpu.dma_semaphore, #tpu.memory_space<semaphore_mem>>) src(%arg4 : memref<32x16xf32, #tpu.memory_space<hbm>>) dst(%arg10 : memref<32x16xf32, #tpu.memory_space<vmem>>)
      tpu.yield
    }) : () -> ()
    %broadcast_in_dim3A = arith.constant -2.000000e+00 : f32
    %broadcast_in_dim3A_1 = vector.broadcast %broadcast_in_dim3A : f32 to vector<16xf32>
    %scan3A = arith.constant 0 : i32
    %scan3A_2 = arith.constant 32 : i32
    %scan3A_3 = arith.addi %scan3A, %scan3A_2 : i32
    %scan3A_4 = arith.constant 1 : i32
    %scan3A_5 = scf.for %scan3A_53 = %scan3A to %scan3A_3 step %scan3A_4 iter_args(%scan3A_54 = %broadcast_in_dim3A_1) -> (vector<16xf32>)  : i32 {
      %get3A = arith.index_cast %scan3A_53 : i32 to index
      %get3A_55 = arith.constant 0 : index
      %get3A_56 = tpu.vector_load %arg10[%get3A, %get3A_55] {strides = array<i32>} : memref<32x16xf32, #tpu.memory_space<vmem>>, vector<16xf32>,
      %max3A = arith.maximumf %scan3A_54, %get3A_56 : vector<16xf32>
      scf.yield %max3A : vector<16xf32>
    }
    %scan3A_6 = arith.constant 32 : i32
    %scan3A_7 = arith.constant 0 : i32
    %scan3A_8 = arith.constant 0 : i32
    %scan3A_9 = arith.constant 160 : i32
    %scan3A_10 = arith.addi %scan3A_8, %scan3A_9 : i32
    %scan3A_11 = arith.constant 1 : i32
    scf.for %scan3A_53 = %scan3A_8 to %scan3A_10 step %scan3A_11  : i32 {
      %mul3A_54 = arith.constant 16 : i32
      %mul3A_55 = arith.muli %scan3A_53, %mul3A_54 : i32
      %get3A = arith.index_cast %mul3A_55 : i32 to index
      %get3A_56 = tpu.vector_load %arg8[%get3A] {strides = array<i32>} : memref<5248xf32, #tpu.memory_space<vmem>>, vector<16xf32>,
      %sub3A = arith.subf %get3A_56, %scan3A_5 : vector<16xf32>
      %exp3A = math.exp %sub3A : vector<16xf32>
      %swap3A = arith.index_cast %mul3A_55 : i32 to index
      %swap3A_57 = tpu.vector_load %arg9[%swap3A] {strides = array<i32>} : memref<5248xf32, #tpu.memory_space<vmem>>, vector<16xf32>,
      tpu.vector_store %arg9[%swap3A], %exp3A {strides = array<i32>} : memref<5248xf32, #tpu.memory_space<vmem>>, vector<16xf32>,
    }
    %scan3A_12 = arith.constant 160 : i32
    %dma_start3A = arith.constant 0 : i32
    %dma_start3A_13 = arith.constant 0 : i32
    %dma_start3A_14 = tpu.memref_slice %arg9[%dma_start3A_13] : memref<5248xf32, #tpu.memory_space<vmem>> -> memref<2560xf32, #tpu.memory_space<vmem>>
    %dma_start3A_15 = arith.constant 0 : i32
    %dma_start3A_16 = tpu.memref_slice %arg7[%dma_start3A_15] : memref<5248xi32, #tpu.memory_space<vmem>> -> memref<2560xi32, #tpu.memory_space<vmem>>
    %dma_start3A_17 = arith.constant 0 : i32
    %dma_start3A_18 = tpu.memref_slice %arg6[%dma_start3A_17] : memref<16777216xf32, #tpu.memory_space<hbm>> -> memref<16777216xf32, #tpu.memory_space<hbm>>
    %dma_start3A_19 = tpu.memref_slice %arg11[%dma_start3A] : memref<2x!tpu.dma_semaphore, #tpu.memory_space<semaphore_mem>> -> memref<1x!tpu.dma_semaphore, #tpu.memory_space<semaphore_mem>>
    %dma_start3A_20 = tpu.memref_squeeze %dma_start3A_19 : memref<1x!tpu.dma_semaphore, #tpu.memory_space<semaphore_mem>> -> memref<!tpu.dma_semaphore, #tpu.memory_space<semaphore_mem>>
    tpu.enqueue_indirect_dma source(%dma_start3A_14 : memref<2560xf32, #tpu.memory_space<vmem>>) target(%dma_start3A_18 : memref<16777216xf32, #tpu.memory_space<hbm>>) offsets(%dma_start3A_16 : memref<2560xi32, #tpu.memory_space<vmem>>) semaphore(%dma_start3A_20 : memref<!tpu.dma_semaphore, #tpu.memory_space<semaphore_mem>>)
    %scan3A_21 = arith.constant 0 : i32
    %scan3A_22 = arith.constant 160 : i32
    %scan3A_23 = arith.constant 168 : i32
    %scan3A_24 = arith.addi %scan3A_22, %scan3A_23 : i32
    %scan3A_25 = arith.constant 1 : i32
    scf.for %scan3A_53 = %scan3A_22 to %scan3A_24 step %scan3A_25  : i32 {
      %mul3A_54 = arith.constant 16 : i32
      %mul3A_55 = arith.muli %scan3A_53, %mul3A_54 : i32
      %get3A = arith.index_cast %mul3A_55 : i32 to index
      %get3A_56 = tpu.vector_load %arg8[%get3A] {strides = array<i32>} : memref<5248xf32, #tpu.memory_space<vmem>>, vector<16xf32>,
      %sub3A = arith.subf %get3A_56, %scan3A_5 : vector<16xf32>
      %exp3A = math.exp %sub3A : vector<16xf32>
      %swap3A = arith.index_cast %mul3A_55 : i32 to index
      %swap3A_57 = tpu.vector_load %arg9[%swap3A] {strides = array<i32>} : memref<5248xf32, #tpu.memory_space<vmem>>, vector<16xf32>,
      tpu.vector_store %arg9[%swap3A], %exp3A {strides = array<i32>} : memref<5248xf32, #tpu.memory_space<vmem>>, vector<16xf32>,
    }
    %scan3A_26 = arith.constant 168 : i32
    %dma_start3A_27 = arith.constant 1 : i32
    %dma_start3A_28 = arith.constant 2560 : i32
    %dma_start3A_29 = tpu.memref_slice %arg9[%dma_start3A_28] : memref<5248xf32, #tpu.memory_space<vmem>> -> memref<2688xf32, #tpu.memory_space<vmem>>
    %dma_start3A_30 = arith.constant 2560 : i32
    %dma_start3A_31 = tpu.memref_slice %arg7[%dma_start3A_30] : memref<5248xi32, #tpu.memory_space<vmem>> -> memref<2688xi32, #tpu.memory_space<vmem>>
    %dma_start3A_32 = arith.constant 0 : i32
    %dma_start3A_33 = tpu.memref_slice %arg6[%dma_start3A_32] : memref<16777216xf32, #tpu.memory_space<hbm>> -> memref<16777216xf32, #tpu.memory_space<hbm>>
    %dma_start3A_34 = tpu.memref_slice %arg11[%dma_start3A_27] : memref<2x!tpu.dma_semaphore, #tpu.memory_space<semaphore_mem>> -> memref<1x!tpu.dma_semaphore, #tpu.memory_space<semaphore_mem>>
    %dma_start3A_35 = tpu.memref_squeeze %dma_start3A_34 : memref<1x!tpu.dma_semaphore, #tpu.memory_space<semaphore_mem>> -> memref<!tpu.dma_semaphore, #tpu.memory_space<semaphore_mem>>
    tpu.enqueue_indirect_dma source(%dma_start3A_29 : memref<2688xf32, #tpu.memory_space<vmem>>) target(%dma_start3A_33 : memref<16777216xf32, #tpu.memory_space<hbm>>) offsets(%dma_start3A_31 : memref<2688xi32, #tpu.memory_space<vmem>>) semaphore(%dma_start3A_35 : memref<!tpu.dma_semaphore, #tpu.memory_space<semaphore_mem>>)
    %dma_wait3A = arith.constant 0 : i32
    %dma_wait3A_36 = arith.constant 0 : i32
    %dma_wait3A_37 = tpu.memref_slice %arg9[%dma_wait3A_36] : memref<5248xf32, #tpu.memory_space<vmem>> -> memref<2560xf32, #tpu.memory_space<vmem>>
    %dma_wait3A_38 = arith.constant 0 : i32
    %dma_wait3A_39 = tpu.memref_slice %arg7[%dma_wait3A_38] : memref<5248xi32, #tpu.memory_space<vmem>> -> memref<2560xi32, #tpu.memory_space<vmem>>
    %dma_wait3A_40 = arith.constant 0 : i32
    %dma_wait3A_41 = tpu.memref_slice %arg6[%dma_wait3A_40] : memref<16777216xf32, #tpu.memory_space<hbm>> -> memref<16777216xf32, #tpu.memory_space<hbm>>
    %dma_wait3A_42 = tpu.memref_slice %arg11[%dma_wait3A] : memref<2x!tpu.dma_semaphore, #tpu.memory_space<semaphore_mem>> -> memref<1x!tpu.dma_semaphore, #tpu.memory_space<semaphore_mem>>
    %dma_wait3A_43 = tpu.memref_squeeze %dma_wait3A_42 : memref<1x!tpu.dma_semaphore, #tpu.memory_space<semaphore_mem>> -> memref<!tpu.dma_semaphore, #tpu.memory_space<semaphore_mem>>
    tpu.wait_indirect_dma semaphore(%dma_wait3A_43 : memref<!tpu.dma_semaphore, #tpu.memory_space<semaphore_mem>>) src(%dma_wait3A_37 : memref<2560xf32, #tpu.memory_space<vmem>>) dst(%dma_wait3A_41 : memref<16777216xf32, #tpu.memory_space<hbm>>)
    %dma_wait3A_44 = arith.constant 1 : i32
    %dma_wait3A_45 = arith.constant 2560 : i32
    %dma_wait3A_46 = tpu.memref_slice %arg9[%dma_wait3A_45] : memref<5248xf32, #tpu.memory_space<vmem>> -> memref<2688xf32, #tpu.memory_space<vmem>>
    %dma_wait3A_47 = arith.constant 2560 : i32
    %dma_wait3A_48 = tpu.memref_slice %arg7[%dma_wait3A_47] : memref<5248xi32, #tpu.memory_space<vmem>> -> memref<2688xi32, #tpu.memory_space<vmem>>
    %dma_wait3A_49 = arith.constant 0 : i32
    %dma_wait3A_50 = tpu.memref_slice %arg6[%dma_wait3A_49] : memref<16777216xf32, #tpu.memory_space<hbm>> -> memref<16777216xf32, #tpu.memory_space<hbm>>
    %dma_wait3A_51 = tpu.memref_slice %arg11[%dma_wait3A_44] : memref<2x!tpu.dma_semaphore, #tpu.memory_space<semaphore_mem>> -> memref<1x!tpu.dma_semaphore, #tpu.memory_space<semaphore_mem>>
    %dma_wait3A_52 = tpu.memref_squeeze %dma_wait3A_51 : memref<1x!tpu.dma_semaphore, #tpu.memory_space<semaphore_mem>> -> memref<!tpu.dma_semaphore, #tpu.memory_space<semaphore_mem>>
    tpu.wait_indirect_dma semaphore(%dma_wait3A_52 : memref<!tpu.dma_semaphore, #tpu.memory_space<semaphore_mem>>) src(%dma_wait3A_46 : memref<2688xf32, #tpu.memory_space<vmem>>) dst(%dma_wait3A_50 : memref<16777216xf32, #tpu.memory_space<hbm>>)
    return
  }
}

module attributes {stable_mosaic.version = 14 : i64} {
  func.func @_mlp_body(%arg0: memref<1x4096xf32, #tpu.memory_space<vmem>>, %arg1: memref<256x4096xf32, #tpu.memory_space<vmem>>, %arg2: memref<1x256xf32, #tpu.memory_space<vmem>>, %arg3: memref<4096x256xf32, #tpu.memory_space<vmem>>, %arg4: memref<1x4096xf32, #tpu.memory_space<vmem>>, %arg5: memref<4096x256xf32, #tpu.memory_space<vmem>>, %arg6: memref<1x4096xf32, #tpu.memory_space<vmem>>, %arg7: memref<1x4096xf32, #tpu.memory_space<vmem>>, %arg8: memref<1x4096xf32, #tpu.memory_space<vmem>>) attributes {dimension_semantics = [], scalar_prefetch = 0 : i64, scratch_operands = 0 : i64, tpu.core_type = #tpu.core_type<tc>} {
    %get3A = arith.constant 0 : index
    %get3A_0 = arith.constant 0 : index
    %get3A_1 = vector.load %arg0[%get3A, %get3A_0] : memref<1x4096xf32, #tpu.memory_space<vmem>>, vector<1x4096xf32>
    %get3A_2 = arith.constant 0 : index
    %get3A_3 = arith.constant 0 : index
    %get3A_4 = vector.load %arg1[%get3A_2, %get3A_3] : memref<256x4096xf32, #tpu.memory_space<vmem>>, vector<256x4096xf32>
    %dot_general3A = arith.constant dense<0.000000e+00> : vector<1x256xf32>
    %dot_general3A_5 = tpu.matmul %get3A_1, %get3A_4, %dot_general3A {dimension_numbers = #tpu.dot_dimension_numbers<[1], [1], [0], [0], [0, 0, 1, 0], [], []>, precision = #tpu.contract_precision<fp32>, transpose_lhs_hint = false} : vector<1x4096xf32>, vector<256x4096xf32>, vector<1x256xf32> -> vector<1x256xf32>
    %get3A_6 = arith.constant 0 : index
    %get3A_7 = arith.constant 0 : index
    %get3A_8 = vector.load %arg2[%get3A_6, %get3A_7] : memref<1x256xf32, #tpu.memory_space<vmem>>, vector<1x256xf32>
    %add3A = arith.addf %dot_general3A_5, %get3A_8 : vector<1x256xf32>
    %tanh3A = math.tanh %add3A : vector<1x256xf32>
    %get3A_9 = arith.constant 0 : index
    %get3A_10 = arith.constant 0 : index
    %get3A_11 = vector.load %arg3[%get3A_9, %get3A_10] : memref<4096x256xf32, #tpu.memory_space<vmem>>, vector<4096x256xf32>
    %dot_general3A_12 = arith.constant dense<0.000000e+00> : vector<1x4096xf32>
    %dot_general3A_13 = tpu.matmul %tanh3A, %get3A_11, %dot_general3A_12 {dimension_numbers = #tpu.dot_dimension_numbers<[1], [1], [0], [0], [0, 0, 1, 0], [], []>, precision = #tpu.contract_precision<fp32>, transpose_lhs_hint = false} : vector<1x256xf32>, vector<4096x256xf32>, vector<1x4096xf32> -> vector<1x4096xf32>
    %get3A_14 = arith.constant 0 : index
    %get3A_15 = arith.constant 0 : index
    %get3A_16 = vector.load %arg4[%get3A_14, %get3A_15] : memref<1x4096xf32, #tpu.memory_space<vmem>>, vector<1x4096xf32>
    %add3A_17 = arith.addf %dot_general3A_13, %get3A_16 : vector<1x4096xf32>
    %tanh3A_18 = math.tanh %add3A_17 : vector<1x4096xf32>
    %swap3A = arith.constant 0 : index
    %swap3A_19 = arith.constant 0 : index
    %swap3A_20 = vector.load %arg7[%swap3A, %swap3A_19] : memref<1x4096xf32, #tpu.memory_space<vmem>>, vector<1x4096xf32>
    tpu.vector_store %arg7[%swap3A, %swap3A_19], %tanh3A_18 {strides = array<i32>} : memref<1x4096xf32, #tpu.memory_space<vmem>>, vector<1x4096xf32>,
    %get3A_21 = arith.constant 0 : index
    %get3A_22 = arith.constant 0 : index
    %get3A_23 = vector.load %arg5[%get3A_21, %get3A_22] : memref<4096x256xf32, #tpu.memory_space<vmem>>, vector<4096x256xf32>
    %dot_general3A_24 = arith.constant dense<0.000000e+00> : vector<1x4096xf32>
    %dot_general3A_25 = tpu.matmul %tanh3A, %get3A_23, %dot_general3A_24 {dimension_numbers = #tpu.dot_dimension_numbers<[1], [1], [0], [0], [0, 0, 1, 0], [], []>, precision = #tpu.contract_precision<fp32>, transpose_lhs_hint = false} : vector<1x256xf32>, vector<4096x256xf32>, vector<1x4096xf32> -> vector<1x4096xf32>
    %get3A_26 = arith.constant 0 : index
    %get3A_27 = arith.constant 0 : index
    %get3A_28 = vector.load %arg6[%get3A_26, %get3A_27] : memref<1x4096xf32, #tpu.memory_space<vmem>>, vector<1x4096xf32>
    %add3A_29 = arith.addf %dot_general3A_25, %get3A_28 : vector<1x4096xf32>
    %tanh3A_30 = math.tanh %add3A_29 : vector<1x4096xf32>
    %swap3A_31 = arith.constant 0 : index
    %swap3A_32 = arith.constant 0 : index
    %swap3A_33 = vector.load %arg8[%swap3A_31, %swap3A_32] : memref<1x4096xf32, #tpu.memory_space<vmem>>, vector<1x4096xf32>
    tpu.vector_store %arg8[%swap3A_31, %swap3A_32], %tanh3A_30 {strides = array<i32>} : memref<1x4096xf32, #tpu.memory_space<vmem>>, vector<1x4096xf32>,
    return
  }
}

module attributes {stable_mosaic.version = 14 : i64} {
  func.func @_zeros_body(%arg0: i32, %arg1: memref<2097152xf32, #tpu.memory_space<vmem>>) attributes {dimension_semantics = [#tpu.dimension_semantics<arbitrary>], iteration_bounds = array<i64: 8>, scalar_prefetch = 0 : i64, scratch_operands = 0 : i64, tpu.core_type = #tpu.core_type<tc>, window_params = [{transform_indices = @transform_0, window_bounds = array<i64: 2097152>}]} {
    %broadcast_in_dim3A = arith.constant 0.000000e+00 : f32
    %broadcast_in_dim3A_0 = vector.broadcast %broadcast_in_dim3A : f32 to vector<2097152xf32>
    %swap3A = arith.constant 0 : index
    %swap3A_1 = vector.load %arg1[%swap3A] : memref<2097152xf32, #tpu.memory_space<vmem>>, vector<2097152xf32>
    tpu.vector_store %arg1[%swap3A], %broadcast_in_dim3A_0 {strides = array<i32>} : memref<2097152xf32, #tpu.memory_space<vmem>>, vector<2097152xf32>,
    return
  }
  func.func @transform_0(%arg0: i32) -> i32 {
    %c0_i32 = arith.constant 0 : i32
    return %arg0 : i32
  }
}

module attributes {stable_mosaic.version = 14 : i64} {
  func.func @_sum_body(%arg0: i32, %arg1: memref<2097152xf32, #tpu.memory_space<vmem>>, %arg2: memref<1x1x128xf32, #tpu.memory_space<vmem>>) attributes {dimension_semantics = [#tpu.dimension_semantics<arbitrary>], iteration_bounds = array<i64: 8>, scalar_prefetch = 0 : i64, scratch_operands = 0 : i64, tpu.core_type = #tpu.core_type<tc>, window_params = [{transform_indices = @transform_0, window_bounds = array<i64: 2097152>}, {transform_indices = @transform_1, window_bounds = array<i64: 1, 1, 128>}]} {
    %get3A = arith.constant 0 : index
    %get3A_0 = vector.load %arg1[%get3A] : memref<2097152xf32, #tpu.memory_space<vmem>>, vector<2097152xf32>
    %reduce_sum3A = vector.shape_cast %get3A_0 : vector<2097152xf32> to vector<1x2097152xf32>
    %reduce_sum3A_1 = arith.constant dense<0.000000e+00> : vector<1xf32>
    %reduce_sum3A_2 = vector.multi_reduction <add>, %reduce_sum3A, %reduce_sum3A_1 [1] : vector<1x2097152xf32> to vector<1xf32>
    %reduce_sum3A_3 = vector.shape_cast %reduce_sum3A_2 : vector<1xf32> to vector<1x1xf32>
    %reduce_sum3A_4 = vector.extract %reduce_sum3A_3[0, 0] : f32 from vector<1x1xf32>
    %broadcast_in_dim3A = vector.broadcast %reduce_sum3A_4 : f32 to vector<1x1x128xf32>
    %swap3A = arith.constant 0 : index
    %swap3A_5 = arith.constant 0 : index
    %swap3A_6 = arith.constant 0 : index
    %swap3A_7 = vector.load %arg2[%swap3A, %swap3A_5, %swap3A_6] : memref<1x1x128xf32, #tpu.memory_space<vmem>>, vector<1x1x128xf32>
    tpu.vector_store %arg2[%swap3A, %swap3A_5, %swap3A_6], %broadcast_in_dim3A {strides = array<i32>} : memref<1x1x128xf32, #tpu.memory_space<vmem>>, vector<1x1x128xf32>,
    return
  }
  func.func @transform_0(%arg0: i32) -> i32 {
    %c0_i32 = arith.constant 0 : i32
    return %arg0 : i32
  }
  func.func @transform_1(%arg0: i32) -> (i32, i32, i32) {
    %c0_i32 = arith.constant 0 : i32
    %c0_i32_0 = arith.constant 0 : i32
    %c0_i32_1 = arith.constant 0 : i32
    return %arg0, %c0_i32, %c0_i32_0 : i32, i32, i32
  }
}

module attributes {stable_mosaic.version = 14 : i64} {
  func.func @_scale_body(%arg0: i32, %arg1: memref<2097152xf32, #tpu.memory_space<vmem>>, %arg2: memref<8x1x128xf32, #tpu.memory_space<vmem>>, %arg3: memref<2097152xf32, #tpu.memory_space<vmem>>) attributes {dimension_semantics = [#tpu.dimension_semantics<arbitrary>], iteration_bounds = array<i64: 8>, scalar_prefetch = 0 : i64, scratch_operands = 0 : i64, tpu.core_type = #tpu.core_type<tc>, window_params = [{transform_indices = @transform_0, window_bounds = array<i64: 2097152>}, {pipeline_mode = #tpu.pipeline_mode<synchronous>, transform_indices = @transform_1, window_bounds = array<i64: 8, 1, 128>}, {transform_indices = @transform_2, window_bounds = array<i64: 2097152>}]} {
    %get3A = arith.constant 0 : index
    %get3A_0 = arith.constant 0 : index
    %get3A_1 = arith.constant 0 : index
    %get3A_2 = vector.load %arg2[%get3A, %get3A_0, %get3A_1] : memref<8x1x128xf32, #tpu.memory_space<vmem>>, vector<8x1x128xf32>
    %reduce_sum3A = vector.shape_cast %get3A_2 : vector<8x1x128xf32> to vector<1x8x1x128xf32>
    %reduce_sum3A_3 = arith.constant dense<0.000000e+00> : vector<1xf32>
    %reduce_sum3A_4 = vector.multi_reduction <add>, %reduce_sum3A, %reduce_sum3A_3 [1, 2, 3] : vector<1x8x1x128xf32> to vector<1xf32>
    %reduce_sum3A_5 = vector.shape_cast %reduce_sum3A_4 : vector<1xf32> to vector<1x1x1x1xf32>
    %reduce_sum3A_6 = vector.extract %reduce_sum3A_5[0, 0, 0, 0] : f32 from vector<1x1x1x1xf32>
    %mul3A = arith.constant 7.812500e-03 : f32
    %mul3A_7 = arith.mulf %reduce_sum3A_6, %mul3A : f32
    %get3A_8 = arith.constant 0 : index
    %get3A_9 = vector.load %arg1[%get3A_8] : memref<2097152xf32, #tpu.memory_space<vmem>>, vector<2097152xf32>
    %div3A = arith.constant 1.000000e+00 : f32
    %div3A_10 = arith.divf %div3A, %mul3A_7 : f32
    %mul3A_11 = vector.broadcast %div3A_10 : f32 to vector<2097152xf32>
    %mul3A_12 = arith.mulf %get3A_9, %mul3A_11 : vector<2097152xf32>
    %swap3A = arith.constant 0 : index
    %swap3A_13 = vector.load %arg3[%swap3A] : memref<2097152xf32, #tpu.memory_space<vmem>>, vector<2097152xf32>
    tpu.vector_store %arg3[%swap3A], %mul3A_12 {strides = array<i32>} : memref<2097152xf32, #tpu.memory_space<vmem>>, vector<2097152xf32>,
    return
  }
  func.func @transform_0(%arg0: i32) -> i32 {
    %c0_i32 = arith.constant 0 : i32
    return %arg0 : i32
  }
  func.func @transform_1(%arg0: i32) -> (i32, i32, i32) {
    %c0_i32 = arith.constant 0 : i32
    %c0_i32_0 = arith.constant 0 : i32
    %c0_i32_1 = arith.constant 0 : i32
    %c0_i32_2 = arith.constant 0 : i32
    return %c0_i32, %c0_i32_0, %c0_i32_1 : i32, i32, i32
  }
  func.func @transform_2(%arg0: i32) -> i32 {
    %c0_i32 = arith.constant 0 : i32
    return %arg0 : i32
  }
}

</mosaic_0001>

<sc_bundles>
// kernel: kernel.11.cloned.1.call-start
scs
__scs_entry_jumppad:
0x0: {  	(pc) =	sbr.rel $0x88, $3  }
0x1: {  	(tag) =	ssettag $0x0;
	lr =	simm.s32 $0x1  }
0x2: {  	[smem:$0x3F99] =	sst lr;
	_ =	strace $0xD0000000  }
0x3: {  	_ = 	snop  }
0x4: {  	_ = 	snop  }
0x5: {  	_ = 	snop  }
0x6: {  	_ = 	snop  }
0x7: {  	_ = 	snop  }
__scs_overlays_trampoline_lowered:
0x8: {  	[smem:$0x3FA8] =	sst s0  }
0x9: {  	[smem:$0x3FA9] =	sst s1  }
0xa: {  	[smem:$0x3FAA] =	sst s2  }
0xb: {  	[smem:$0x3FAB] =	sst s3  }
0xc: {  	[smem:$0x3FAC] =	sst s4  }
0xd: {  	[smem:$0x3FAD] =	sst s5  }
0xe: {  	[smem:$0x3FAE] =	sst s6  }
0xf: {  	[smem:$0x3FAF] =	sst s7  }
0x10: {  	[smem:$0x3FB0] =	sst s8  }
0x11: {  	[smem:$0x3FB1] =	sst s9;
	s0 =	simm.s32 @!p0 $0x0  }
0x12: {  	s1 =	sld [smem:$0x3F97];
	s0 =	simm.s32 @p0 $0x1  }
0x13: {  	[smem:$0x3FB2] =	sst s0;
	s0 =	simm.s32 @!p1 $0x0  }
0x14: {  	s2 =	sld [smem:$0x3F96];
	s0 =	simm.s32 @p1 $0x1  }
0x15: {  	[smem:$0x3FB3] =	sst s0;
	s0 =	simm.s32 @!p2 $0x0  }
0x16: {  	s3 =	sld [smem:$0x3FDB];
	s0 =	simm.s32 @p2 $0x1  }
0x17: {  	s4 =	simm.s32 $0x1BF5;
	[smem:$0x3FB5] =	sst s0  }
0x18: {  	s0 =	sld [smem:$0x3F98];
	_ =	swait.ge [sflag:s4], $0x0  }
0x19: {  	s7 =	sld [smem:$0x3F99]  }
0x1a: {  	s8 =	sadd.s32 $0xFFFFE003, lr  }
0x1b: {  	s9 =	sadd.s32 $0xFFFFFEF7, lr;
	s5 =	simm.s32 $0xFFFFFFFF;
	p2 =	slt.u32 s8, $0xFFFFF086  }
0x1c: {  	p1 =	slt.u32 s9, $0xF7A;
	s5 =	simm.s32 @!p2 $0x0  }
0x1d: {  	s5 =	simm.s32 @p1 $0x1;
	p0 =	seq.s32 s7, s2  }
0x1e: {  	s7 =	smul.u32 @!p0 $0xF7A, s2;
	p2 =	seq.s32 @!p0 s5, $0x0  }
0x1f: {  	s9 =	smul.u32 $0xF7A, s1;
	s8 =	simm.s32 @!p0 $0x1BF5;
	p2 =	por !p2, p0  }
0x20: {  	[sflag:s8] =	ssyncset.s32 @!p0 $0xFFFFF086;
	s6 =	sadd.s32 @!p0 s3, s7;
	s7 =	simm.s32 @!p0 $0x108  }
0x21: {  	s3 =	sadd.s32 s3, s9;
	s6 =	sadd.s32 @!p0 $0x88, s6;
	s7 =	simm.s32 @p2 $0x1082  }
0x22: {  	[simem:s7], [sflag:s8] =	dma.local @!p0 [hbm:s6], $0xF7A  }
0x23: {  	s9 =	sor.u32 $0xD0000000, s2;
	s6 =	simm.s32 $0x108;
	_ =	swait.ge @!p0 [sflag:s8], $0x0  }
0x24: {  	s3 =	sadd.s32 $0x88, s3;
	s6 =	simm.s32 @!p1 $0x1082;
	[sflag:s4] =	ssyncset.s32 $0xFFFFF086  }
0x25: {  	[simem:s6], [sflag:s4] =	dma.local [hbm:s3], $0xF7A  }
0x26: {  	[smem:$0x3F99] =	sst s1;
	(tag) =	ssettag s2;
	_ =	strace s9  }
0x27: {  	s1 =	sld [smem:$0x3FA9]  }
0x28: {  	s2 =	sld [smem:$0x3FAA]  }
0x29: {  	s4 =	sld [smem:$0x3FAC]  }
0x2a: {  	p0 =	seq.s32 s5, $0x0;
	s5 =	sld [smem:$0x3FAD]  }
0x2b: {  	s6 =	sld [smem:$0x3FAE]  }
0x2c: {  	s7 =	sld [smem:$0x3FAF]  }
0x2d: {  	s3 =	simm.s32 $0x108;
	s8 =	sld [smem:$0x3FB0]  }
0x2e: {  	s3 =	simm.s32 @!p0 $0x1082;
	s9 =	sld [smem:$0x3FB1]  }
0x2f: {  	lr =	sadd.s32 s0, s3;
	s0 =	sld [smem:$0x3FA8]  }
0x30: {  	s3 =	sld [smem:$0x3FAB]  }
0x31: {  	[smem:$0x3FB4] =	sst s10  }
0x32: {  	s10 =	sld [smem:$0x3FB2];
	_ =	sdelay $0x3  }
0x33: {  	p0 =	seq.s32 s10, $0x1;
	s10 =	sld [smem:$0x3FB4];
	_ =	sdelay $0x3  }
0x34: {  	[smem:$0x3FB4] =	sst s10  }
0x35: {  	s10 =	sld [smem:$0x3FB3];
	_ =	sdelay $0x3  }
0x36: {  	p1 =	seq.s32 s10, $0x1;
	s10 =	sld [smem:$0x3FB4];
	_ =	sdelay $0x3  }
0x37: {  	[smem:$0x3FB4] =	sst s10  }
0x38: {  	s10 =	sld [smem:$0x3FB5]  }
0x39: {  	_ = 	snop;
	(pc) =	sbr.ind lr, $3  }
0x3a: {  	_ = 	snop  }
0x3b: {  	_ = 	snop  }
0x3c: {  	p2 =	seq.s32 s10, $0x1;
	s10 =	sld [smem:$0x3FB4]  }
0x3d: {  	_ =	shalt  }
0x3e: {  	_ =	shalt  }
0x3f: {  	_ =	shalt  }
0x40: {  	_ =	shalt  }
0x41: {  	_ =	shalt  }
0x42: {  	_ =	shalt  }
0x43: {  	_ =	shalt  }
0x44: {  	_ =	shalt  }
0x45: {  	_ =	shalt  }
0x46: {  	_ =	shalt  }
0x47: {  	_ =	shalt  }
0x48: {  	_ =	shalt  }
0x49: {  	_ =	shalt  }
0x4a: {  	_ =	shalt  }
0x4b: {  	_ =	shalt  }
0x4c: {  	_ =	shalt  }
0x4d: {  	_ =	shalt  }
0x4e: {  	_ =	shalt  }
0x4f: {  	_ =	shalt  }
0x50: {  	_ =	shalt  }
0x51: {  	_ =	shalt  }
0x52: {  	_ =	shalt  }
0x53: {  	_ =	shalt  }
0x54: {  	_ =	shalt  }
0x55: {  	_ =	shalt  }
0x56: {  	_ =	shalt  }
0x57: {  	_ =	shalt  }
0x58: {  	_ =	shalt  }
0x59: {  	_ =	shalt  }
0x5a: {  	_ =	shalt  }
0x5b: {  	_ =	shalt  }
0x5c: {  	_ =	shalt  }
0x5d: {  	_ =	shalt  }
0x5e: {  	_ =	shalt  }
0x5f: {  	_ =	shalt  }
0x60: {  	_ =	shalt  }
0x61: {  	_ =	shalt  }
0x62: {  	_ =	shalt  }
0x63: {  	_ =	shalt  }
0x64: {  	_ =	shalt  }
0x65: {  	_ =	shalt  }
0x66: {  	_ =	shalt  }
0x67: {  	_ =	shalt  }
0x68: {  	_ =	shalt  }
0x69: {  	_ =	shalt  }
0x6a: {  	_ =	shalt  }
0x6b: {  	_ =	shalt  }
0x6c: {  	_ =	shalt  }
0x6d: {  	_ =	shalt  }
0x6e: {  	_ =	shalt  }
0x6f: {  	_ =	shalt  }
0x70: {  	_ =	shalt  }
0x71: {  	_ =	shalt  }
0x72: {  	_ =	shalt  }
0x73: {  	_ =	shalt  }
0x74: {  	_ =	shalt  }
0x75: {  	_ =	shalt  }
0x76: {  	_ =	shalt  }
0x77: {  	_ =	shalt  }
0x78: {  	_ =	shalt  }
0x79: {  	_ =	shalt  }
0x7a: {  	_ =	shalt  }
0x7b: {  	_ =	shalt  }
0x7c: {  	_ =	shalt  }
0x7d: {  	_ =	shalt  }
0x7e: {  	_ =	shalt  }
0x7f: {  	_ =	shalt  }
0x80: {  	_ =	shalt  }
0x81: {  	_ =	shalt  }
0x82: {  	_ =	shalt  }
0x83: {  	_ =	shalt  }
0x84: {  	_ =	shalt  }
0x85: {  	_ =	shalt  }
0x86: {  	_ =	shalt  }
0x87: {  	_ =	shalt  }
.Lfunc_end0:
.L_simem_size_0:
called_computation.1_lowered:
.L_overlay_start_0:
0x88: {  	s2 =	sld [smem:$0x3FD9]  }
0x89: {  	s3 =	sld [smem:$0x3FFE];
	_ =	sdelay $0x1  }
0x8a: {  	s1 =	srdreg.scid  }
0x8b: {  	s0 =	sand.u32 $0x1, s1  }
0x8c: {  	s17 =	sshll.u32 s0, $0xA;
	s2 =	sadd.s32 s3, s2  }
0x8d: {  	s2 =	sadd.s32 s2, s17  }
0x8e: {  	[smem:$0x3FC0] =	sst s2  }
0x8f: {  	_ = 	snop  }
0x90: {  	s2 =	sld [smem:$0x3FD0];
	(tm) =	ssettm $0x1  }
0x91: {  	s18 =	sld [smem:$0x3FFB];
	_ =	sdelay $0x3  }
0x92: {  	_ =	strace s18  }
0x93: {  	s3 =	sld [smem:$0x3FFC];
	_ =	sdelay $0x3  }
0x94: {  	_ =	strace s3  }
0x95: {  	s3 =	sld [smem:$0x3FFD];
	_ =	sdelay $0x3  }
0x96: {  	_ =	strace s3  }
0x97: {  	_ =	strace $0x8FFFFFFF  }
0x98: {  	s19 =	sld [smem:$0x3FDB];
	_ =	sdelay $0x1  }
0x99: {  	s4 =	simm.s32 $_scs_section_size  }
0x9a: {  	s5 =	simm.s32 $_size__tile_overlayer_lowered;
	s6 =	simm.s32 $_tile_overlayer_lowered  }
0x9b: {  	s22 =	simm.s32 $0x1BFF;
	s21 =	sshll.u32 s6, $0x1;
	s3 =	sadd.s32 s4, s19  }
0x9c: {  	s7 =	simm.s32 $0x0;
	s20 =	sshll.u32 s5, $0x1;
	s5 =	sadd.s32 s21, s3  }
0x9d: {  	[timem:s7], [sflag:s22] =	dma.local [hbm:s5], s20  }
0x9e: {  	_ =	swait.ge [sflag:s22], s20  }
0x9f: {  	s4 =	ssub.s32 $0x0, s20;
	[sflag:s22] =	ssyncset.done $0x0  }
0xa0: {  	[sflag:s22] =	ssyncadd.s32 s4;
	_ =	sdelay $0x1  }
0xa1: {  	s23 =	simm.s32 $0x1B8B  }
0xa2: {  	_ =	swait.ge [sflag:s23], $0x1  }
0xa3: {  	[sflag:s23] =	ssyncset.done $0x0  }
0xa4: {  	s25 =	simm.s32 $0x1B8E;
	s24 =	sld [smem:$0x3FFE];
	[sflag:s23] =	ssyncadd.s32 $0xFFFFFFFF  }
0xa5: {  	s26 =	simm.s32 $execute0_lowered;
	[smem:$0x3FD2] =	sst s25  }
0xa6: {  	s5 =	sshll.u32 s26, $0x1;
	_ =	strace $0x80000049;
	[dreg:$0x1] =	wrdreg $0xFFFFFFFF  }
0xa7: {  	s28 =	simm.s32 $_size_execute0_lowered;
	s3 =	sadd.s32 s3, s5;
	[dreg:$0x0] =	wrdreg $0x0  }
0xa8: {  	s5 =	sshll.u32 s28, $0x1;
	[dreg:$0x2] =	wrdreg s3  }
0xa9: {  	[dreg:$0x3] =	wrdreg s5  }
0xaa: {  	[dreg:$0x4] =	wrdreg $0xC0  }
0xab: {  	_ =	task [dreg:s7], $0x5FFFF  }
0xac: {  	[dreg:$0x1] =	wrdreg $0xFFFFFFFF  }
0xad: {  	[dreg:$0x0] =	wrdreg $0x60  }
0xae: {  	[dreg:$0x2] =	wrdreg s24  }
0xaf: {  	[dreg:$0x3] =	wrdreg s2  }
0xb0: {  	[dreg:$0x4] =	wrdreg $0x9  }
0xb1: {  	_ =	task.clear_ibuf [dreg:s7], $0x5FFFF;
	_ =	strace $0x90000049  }
0xb2: {  	s29 =	simm.s32 $0x9;
	_ =	strace $0x8000004B  }
0xb3: {  	_ =	swait.ge [sflag:s29], $0x1  }
0xb4: {  	[sflag:s29] =	ssyncadd.s32 $0xFFFFFFFF  }
0xb5: {  	_ =	strace $0x9000004B  }
0xb6: {  	_ =	sfence  }
0xb7: {  	s30 =	sld [smem:$0x0];
	_ =	sdelay $0x2  }
0xb8: {  	s31 =	sshll.u32 s1, $0xD;
	s1 =	sshrl.u32 s1, $0x2  }
0xb9: {  	s3 =	sand.u32 $0x4000, s31;
	s1 =	sadd.s32 s1, s30  }
0xba: {  	s0 =	sor.u32 s3, s0;
	s1 =	sshll.u32 s1, $0x11  }
0xbb: {  	s0 =	sor.u32 s1, s0  }
0xbc: {  	s0 =	sadd.s32 $0x8F2B, s0  }
0xbd: {  	[sflag:s0] =	ssyncadd.remote.s32 $0x1  }
0xbe: {  	_ =	sfence.sel $0xFFFF  }
0xbf: {  	[dreg:$0x0] =	wrdreg $0xFFFFFFFF;
	(pc) =	sbr.abs _section_cstart, $3  }
0xc0: {  	[dreg:$0x1] =	wrdreg $0xFFFFFFFF  }
0xc1: {  	_ =	task.clear_ibuf [dreg:s7], $0x2FFFF;
	_ =	strace $0x9FFFFFFF  }
0xc2: {  	(tm) =	ssettm $0x7FFFFFFF  }
0xc3: {  	_ =	shalt  }
tec
execute0_lowered:
.L_overlay_start_1:
0x0: {  	(tag) =	ssettag $0x1  }
0x1: {  	s4 =	rddreg [dreg:$0x0]  }
0x2: {  	s1 =	rddreg [dreg:$0x1]  }
0x3: {  	s2 =	srdreg.scid;
	s0 =	stileid.u32  }
0x4: {  	s9 =	simm.s32 $0x400;
	s10 =	simm.s32 $0x3;
	s11 =	simm.s32 $0x1480  }
0x5: {  	s12 =	simm.s32 $0x3D80;
	s13 =	simm.s32 $0xA00;
	s14 =	simm.s32 $0x2900  }
0x6: {  	s15 =	simm.s32 $0xA80;
	s16 =	simm.s32 $0x3300;
	s17 =	simm.s32 $0x1  }
0x7: {  	s18 =	simm.s32 $0x2;
	s19 =	simm.s32 $0x0;
	s5 =	sand.u32 $0x1, s2  }
0x8: {  	s30 =	sshrl.u32 s0, $0x2;
	s3 =	sshll.u32 s0, $0x8;
	s2 =	rddreg [dreg:$0x2]  }
0x9: {  	s6 =	smul.u32 $0xA400, s30;
	s7 =	sshll.u32 s5, $0x7;
	s8 =	sand.u32 $0x300, s3  }
0xa: {  	s3 =	simm.s32 $0x0;
	s5 =	ssub.s32 $0x2, s5;
	s7 =	sor.u32 s7, s8  }
0xb: {  	[smem:$0x7FF] =	sst s3;
	s31 =	sshrl.u32 s5, $0x1;
	s6 =	sor.u32 s6, s7  }
0xc: {  	s8 =	simm.s32 $0x80;
	s7 =	ssub.s32 s5, s31;
	s6 =	sshrl.u32 s6, $0x3  }
0xd: {  	_ =	strace $0x8000004A;
	s7 =	smax.u32 s7, $0x1;
	s6 =	sadd.s32 s6, s4  }
0xe: {  	s4 =	sadd.s32 $0x15600, s4;
	s5 =	sadd.s32 $0xB200, s6;
	s6 =	sadd.s32 $0x10400, s6  }
.LBB2_1:
0xf: {  	[tilespmem:s3], [sflag:$0x3] =	stream.strided.gather [hbm4b:s5+s8], $0x1480, s9, s8, $0x38;
	[tilespmem:$0x4D80] =	vst v63  }
0x10: {  	_ =	swait.ge [sflag:s10], $0x1480  }
0x11: {  	[sflag:s10] =	ssyncset.done $0x0  }
0x12: {  	[sflag:s10] =	ssyncadd.s32 $0xFFFFEB80  }
0x13: {  	[tilespmem:s11], [sflag:$0x3] =	stream.strided.gather [hbm4b:s6+s8], $0x1480, s9, s8, $0x38;
	[tilespmem:$0x4D80] =	vst v63  }
0x14: {  	_ =	swait.ge [sflag:s10], $0x1480  }
0x15: {  	[sflag:s10] =	ssyncset.done $0x0  }
0x16: {  	[sflag:s10] =	ssyncadd.s32 $0xFFFFEB80  }
0x17: {  	[tilespmem:s12], [sflag:$0x3] =	stream.linear.gather [hbm4b:s4+s3], $0x1000, $0x38;
	[tilespmem:$0x4D80] =	vst v63  }
0x18: {  	_ =	swait.ge [sflag:s10], $0x1000  }
0x19: {  	[sflag:s10] =	ssyncset.done $0x0  }
0x1a: {  	[sflag:s10] =	ssyncadd.s32 $0xFFFFF000  }
0x1b: {  	v0 =	vld [tilespmem:$0x3D80]  }
0x1c: {  	v1 =	vld [tilespmem:$0x3E00]  }
0x1d: {  	v2 =	vld [tilespmem:$0x3E80]  }
0x1e: {  	v3 =	vld [tilespmem:$0x3F00]  }
0x1f: {  	v4 =	vld [tilespmem:$0x3F80]  }
0x20: {  	v5 =	vld [tilespmem:$0x4000];
	v0 =	vmax.f32 v0, $-2.000000000e+00  }
0x21: {  	v0 =	vmax.f32 v0, v1;
	v1 =	vld [tilespmem:$0x4080]  }
0x22: {  	v0 =	vmax.f32 v0, v2;
	v2 =	vld [tilespmem:$0x4100]  }
0x23: {  	v0 =	vmax.f32 v0, v3;
	v3 =	vld [tilespmem:$0x4180]  }
0x24: {  	v54 =	vld [tilespmem:$0x4200];
	v0 =	vmax.f32 v0, v4  }
0x25: {  	v55 =	vld [tilespmem:$0x4280];
	v0 =	vmax.f32 v0, v5  }
0x26: {  	v0 =	vmax.f32 v0, v1;
	v1 =	vld [tilespmem:$0x4300]  }
0x27: {  	v0 =	vmax.f32 v0, v2;
	v2 =	vld [tilespmem:$0x4380]  }
0x28: {  	v0 =	vmax.f32 v0, v3;
	v3 =	vld [tilespmem:$0x4400]  }
0x29: {  	v56 =	vld [tilespmem:$0x4480];
	v0 =	vmax.f32 v0, v54  }
0x2a: {  	v57 =	vld [tilespmem:$0x4500];
	v0 =	vmax.f32 v0, v55  }
0x2b: {  	v0 =	vmax.f32 v0, v1;
	v1 =	vld [tilespmem:$0x4580]  }
0x2c: {  	v0 =	vmax.f32 v0, v2;
	v2 =	vld [tilespmem:$0x4600]  }
0x2d: {  	v0 =	vmax.f32 v0, v3;
	v3 =	vld [tilespmem:$0x4680]  }
0x2e: {  	v58 =	vld [tilespmem:$0x4700];
	v0 =	vmax.f32 v0, v56  }
0x2f: {  	v59 =	vld [tilespmem:$0x4780];
	v0 =	vmax.f32 v0, v57  }
0x30: {  	v0 =	vmax.f32 v0, v1;
	v1 =	vld [tilespmem:$0x4800]  }
0x31: {  	v0 =	vmax.f32 v0, v2;
	v2 =	vld [tilespmem:$0x4880]  }
0x32: {  	v0 =	vmax.f32 v0, v3;
	v3 =	vld [tilespmem:$0x4900]  }
0x33: {  	v60 =	vld [tilespmem:$0x4980];
	v0 =	vmax.f32 v0, v58  }
0x34: {  	v61 =	vld [tilespmem:$0x4A00];
	v0 =	vmax.f32 v0, v59  }
0x35: {  	v0 =	vmax.f32 v0, v1;
	v1 =	vld [tilespmem:$0x4A80]  }
0x36: {  	v0 =	vmax.f32 v0, v2;
	v2 =	vld [tilespmem:$0x4B00]  }
0x37: {  	v0 =	vmax.f32 v0, v3;
	v3 =	vld [tilespmem:$0x4B80]  }
0x38: {  	v62 =	vld [tilespmem:$0x4C00];
	v0 =	vmax.f32 v0, v60  }
0x39: {  	v63 =	vld [tilespmem:$0x4C80];
	v0 =	vmax.f32 v0, v61  }
0x3a: {  	s20 =	simm.s32 $0x0;
	v0 =	vmax.f32 v0, v1;
	v1 =	vld [tilespmem:$0x4D00]  }
0x3b: {  	v0 =	vmax.f32 v0, v2;
	v2 =	vld [tilespmem:s20+$0x1480]  }
0x3c: {  	v0 =	vmax.f32 v0, v3  }
0x3d: {  	s21 =	simm.s32 $0x10;
	v0 =	vmax.f32 v0, v62  }
0x3e: {  	v3 =	vld [tilespmem:s21+$0x1480];
	v0 =	vmax.f32 v0, v63  }
0x3f: {  	v0 =	vmax.f32 v0, v1  }
0x40: {  	v1 =	vsub.f32 v2, v0;
	_ =	sdelay $0x1  }
0x41: {  	v1 =	vmul.f32 $1.442695020e+00, v1  }
0x42: {  	v2 =	vsub.f32 v3, v0  }
0x43: {  	(erf) = vpow2.f32 v1  }
0x44: {  	v2 =	vmul.f32 $1.442695020e+00, v2  }
0x45: {  	s22 =	simm.s32 $0x20  }
0x46: {  	v1 =	vld [tilespmem:s22+$0x1480];
	(erf) = vpow2.f32 v2;
	_ =	sdelay $0x2  }
0x47: {  	s23 =	simm.s32 $0xC0  }
.LBB2_2:
0x48: {  	p0 =	sne.s32 s23, $0x27C0  }
.Ltmp0:
0x49: {  	s24 =	sshra.s32 s23, $0x2;
	s23 =	sadd.s32 $0x40, s23;
	v2 =	vsub.f32 v1, v0;
	(pc) =	sbr.rel @p0 .LBB2_2-.Ltmp0, $4  }
0x4a: {  	v1 =	vld [tilespmem:s24+$0x1480];
	v3 =	vpop (erf)  }
0x4b: {  	v2 =	vmul.f32 $1.442695020e+00, v2;
	[tilespmem:s20+$0x2900] =	vst v3;
	s20 =	smov.u32 s21;
	s21 =	smov.u32 s22;
	s22 =	smov.u32 s24  }
0x4c: {  	_ = 	snop  }
0x4d: {  	(erf) = vpow2.f32 v2  }
0x4e: {  	_ = 	snop  }
0x4f: {  	v1 =	vsub.f32 v1, v0;
	_ =	sdelay $0x1  }
0x50: {  	v1 =	vmul.f32 $1.442695020e+00, v1;
	_ =	sdelay $0x1  }
0x51: {  	(erf) = vpow2.f32 v1;
	_ =	sdelay $0x6  }
0x52: {  	v1 =	vpop (erf)  }
0x53: {  	[tilespmem:s20+$0x2900] =	vst v1;
	v1 =	vpop (erf)  }
0x54: {  	[tilespmem:s21+$0x2900] =	vst v1;
	v1 =	vpop (erf)  }
0x55: {  	s31 =	simm.s32 $0x0;
	s20 =	simm.s32 $0x0;
	[tilespmem:s22+$0x2900] =	vst v1  }
0x56: {  	[hbm4b:s1+s13] =	stream.indirect.scatter [tilespmem:s14], [sflag:$0x1], $0x1, s31, s13, $0xb8;
	[tilespmem:$0x4D80] =	vst v63  }
0x57: {  	v1 =	vld [tilespmem:s20+$0x1E80];
	_ =	sdelay $0x1  }
0x58: {  	s21 =	simm.s32 $0x10  }
0x59: {  	v2 =	vld [tilespmem:s21+$0x1E80];
	_ =	sdelay $0x1  }
0x5a: {  	v1 =	vsub.f32 v1, v0;
	_ =	sdelay $0x1  }
0x5b: {  	v1 =	vmul.f32 $1.442695020e+00, v1  }
0x5c: {  	v2 =	vsub.f32 v2, v0  }
0x5d: {  	(erf) = vpow2.f32 v1  }
0x5e: {  	v2 =	vmul.f32 $1.442695020e+00, v2  }
0x5f: {  	s22 =	simm.s32 $0x20  }
0x60: {  	v1 =	vld [tilespmem:s22+$0x1E80];
	(erf) = vpow2.f32 v2;
	_ =	sdelay $0x2  }
0x61: {  	s23 =	simm.s32 $0xC0  }
.LBB2_4:
0x62: {  	p0 =	sne.s32 s23, $0x29C0  }
.Ltmp1:
0x63: {  	s24 =	sshra.s32 s23, $0x2;
	s23 =	sadd.s32 $0x40, s23;
	v2 =	vsub.f32 v1, v0;
	(pc) =	sbr.rel @p0 .LBB2_4-.Ltmp1, $4  }
0x64: {  	v1 =	vld [tilespmem:s24+$0x1E80];
	v3 =	vpop (erf)  }
0x65: {  	v2 =	vmul.f32 $1.442695020e+00, v2;
	[tilespmem:s20+$0x3300] =	vst v3;
	s20 =	smov.u32 s21;
	s21 =	smov.u32 s22;
	s22 =	smov.u32 s24  }
0x66: {  	_ = 	snop  }
0x67: {  	(erf) = vpow2.f32 v2  }
0x68: {  	_ = 	snop  }
0x69: {  	v0 =	vsub.f32 v1, v0;
	_ =	sdelay $0x1  }
0x6a: {  	v0 =	vmul.f32 $1.442695020e+00, v0;
	_ =	sdelay $0x1  }
0x6b: {  	(erf) = vpow2.f32 v0;
	_ =	sdelay $0x6  }
0x6c: {  	v61 =	vpop (erf)  }
0x6d: {  	[tilespmem:s20+$0x3300] =	vst v61;
	v62 =	vpop (erf)  }
0x6e: {  	[tilespmem:s21+$0x3300] =	vst v62;
	v63 =	vpop (erf)  }
0x6f: {  	s19 =	sadd.s32 $0x1, s19;
	[tilespmem:s22+$0x3300] =	vst v63  }
0x70: {  	[hbm4b:s1+s15] =	stream.indirect.scatter [tilespmem:s16], [sflag:$0x2], $0x1, s13, s15, $0xb8;
	[tilespmem:$0x4D80] =	vst v63  }
0x71: {  	p0 =	sne.s32 s19, s7;
	_ =	swait.ge [sflag:s17], $0xA00  }
.Ltmp2:
0x72: {  	[sflag:s17] =	ssyncset.done $0x0;
	(pc) =	sbr.rel @p0 .LBB2_1-.Ltmp2, $4  }
0x73: {  	[sflag:s17] =	ssyncadd.s32 $0xFFFFF600  }
0x74: {  	_ =	swait.ge [sflag:s18], $0xA80  }
0x75: {  	[sflag:s18] =	ssyncset.done $0x0  }
0x76: {  	[sflag:s18] =	ssyncadd.s32 $0xFFFFF580  }
0x77: {  	_ =	sfence.sel $0x180000  }
0x78: {  	[bflag:$0x0] =	sbarrier.arrive $0xFFFF  }
0x79: {  	p0 =	sne.s32 s0, $0x0;
	_ =	strace $0x9000004A  }
0x7a: {  	s0 =	sadd.s32 @!p0 $0x100000, s2;
	[bflag:$0x2] =	sbarrier.arrive $0xFFFF  }
0x7b: {  	[sflag:s0] =	ssyncadd.tile.s32 @!p0 $0x1;
	_ =	shalt  }
.Lfunc_end2:
_tile_overlayer_lowered:
.L_overlay_start_2:
0x7c: {  	(tag) =	ssettag $0x2  }
0x7d: {  	s0 =	rddreg [dreg:$0x0];
	s2 =	stileid.u32  }
0x7e: {  	s1 =	rddreg [dreg:$0x1];
	p0 =	sne.s32 s2, $0x0  }
0x7f: {  	s3 =	rddreg [dreg:$0x2];
	[bflag:$0x3] =	sbarrier.arrive $0xFFFF;
	s2 =	simm.s32 @!p0 $0x1C03  }
0x80: {  	[timem:s3], [sflag:s2] =	dma.local @!p0 [hbm:s0], s1  }
0x81: {  	s0 =	simm.s32 @!p0 $0x3  }
0x82: {  	_ =	swait.ge @!p0 [sflag:s0], s1  }
0x83: {  	s1 =	ssub.s32 @!p0 $0x0, s1;
	[sflag:s0] =	ssyncset.done @!p0 $0x0  }
0x84: {  	[sflag:s0] =	ssyncadd.s32 @!p0 s1  }
0x85: {  	[bflag:$0x3] =	sbarrier.arrive $0xFFFF  }
0x86: {  	_ =	shalt  }

// kernel: kernel.8.cloned.1.call-start
scs
__scs_entry_jumppad:
0x0: {  	(pc) =	sbr.rel $0x88, $3  }
0x1: {  	(tag) =	ssettag $0x0;
	lr =	simm.s32 $0x1  }
0x2: {  	[smem:$0x3F99] =	sst lr;
	_ =	strace $0xD0000000  }
0x3: {  	_ = 	snop  }
0x4: {  	_ = 	snop  }
0x5: {  	_ = 	snop  }
0x6: {  	_ = 	snop  }
0x7: {  	_ = 	snop  }
__scs_overlays_trampoline_lowered:
0x8: {  	[smem:$0x3FA8] =	sst s0  }
0x9: {  	[smem:$0x3FA9] =	sst s1  }
0xa: {  	[smem:$0x3FAA] =	sst s2  }
0xb: {  	[smem:$0x3FAB] =	sst s3  }
0xc: {  	[smem:$0x3FAC] =	sst s4  }
0xd: {  	[smem:$0x3FAD] =	sst s5  }
0xe: {  	[smem:$0x3FAE] =	sst s6  }
0xf: {  	[smem:$0x3FAF] =	sst s7  }
0x10: {  	[smem:$0x3FB0] =	sst s8  }
0x11: {  	[smem:$0x3FB1] =	sst s9;
	s0 =	simm.s32 @!p0 $0x0  }
0x12: {  	s1 =	sld [smem:$0x3F97];
	s0 =	simm.s32 @p0 $0x1  }
0x13: {  	[smem:$0x3FB2] =	sst s0;
	s0 =	simm.s32 @!p1 $0x0  }
0x14: {  	s2 =	sld [smem:$0x3F96];
	s0 =	simm.s32 @p1 $0x1  }
0x15: {  	[smem:$0x3FB3] =	sst s0;
	s0 =	simm.s32 @!p2 $0x0  }
0x16: {  	s3 =	sld [smem:$0x3FDB];
	s0 =	simm.s32 @p2 $0x1  }
0x17: {  	s4 =	simm.s32 $0x1BF5;
	[smem:$0x3FB5] =	sst s0  }
0x18: {  	s0 =	sld [smem:$0x3F98];
	_ =	swait.ge [sflag:s4], $0x0  }
0x19: {  	s7 =	sld [smem:$0x3F99]  }
0x1a: {  	s8 =	sadd.s32 $0xFFFFE003, lr  }
0x1b: {  	s9 =	sadd.s32 $0xFFFFFEF7, lr;
	s5 =	simm.s32 $0xFFFFFFFF;
	p2 =	slt.u32 s8, $0xFFFFF086  }
0x1c: {  	p1 =	slt.u32 s9, $0xF7A;
	s5 =	simm.s32 @!p2 $0x0  }
0x1d: {  	s5 =	simm.s32 @p1 $0x1;
	p0 =	seq.s32 s7, s2  }
0x1e: {  	s7 =	smul.u32 @!p0 $0xF7A, s2;
	p2 =	seq.s32 @!p0 s5, $0x0  }
0x1f: {  	s9 =	smul.u32 $0xF7A, s1;
	s8 =	simm.s32 @!p0 $0x1BF5;
	p2 =	por !p2, p0  }
0x20: {  	[sflag:s8] =	ssyncset.s32 @!p0 $0xFFFFF086;
	s6 =	sadd.s32 @!p0 s3, s7;
	s7 =	simm.s32 @!p0 $0x108  }
0x21: {  	s3 =	sadd.s32 s3, s9;
	s6 =	sadd.s32 @!p0 $0x88, s6;
	s7 =	simm.s32 @p2 $0x1082  }
0x22: {  	[simem:s7], [sflag:s8] =	dma.local @!p0 [hbm:s6], $0xF7A  }
0x23: {  	s9 =	sor.u32 $0xD0000000, s2;
	s6 =	simm.s32 $0x108;
	_ =	swait.ge @!p0 [sflag:s8], $0x0  }
0x24: {  	s3 =	sadd.s32 $0x88, s3;
	s6 =	simm.s32 @!p1 $0x1082;
	[sflag:s4] =	ssyncset.s32 $0xFFFFF086  }
0x25: {  	[simem:s6], [sflag:s4] =	dma.local [hbm:s3], $0xF7A  }
0x26: {  	[smem:$0x3F99] =	sst s1;
	(tag) =	ssettag s2;
	_ =	strace s9  }
0x27: {  	s1 =	sld [smem:$0x3FA9]  }
0x28: {  	s2 =	sld [smem:$0x3FAA]  }
0x29: {  	s4 =	sld [smem:$0x3FAC]  }
0x2a: {  	p0 =	seq.s32 s5, $0x0;
	s5 =	sld [smem:$0x3FAD]  }
0x2b: {  	s6 =	sld [smem:$0x3FAE]  }
0x2c: {  	s7 =	sld [smem:$0x3FAF]  }
0x2d: {  	s3 =	simm.s32 $0x108;
	s8 =	sld [smem:$0x3FB0]  }
0x2e: {  	s3 =	simm.s32 @!p0 $0x1082;
	s9 =	sld [smem:$0x3FB1]  }
0x2f: {  	lr =	sadd.s32 s0, s3;
	s0 =	sld [smem:$0x3FA8]  }
0x30: {  	s3 =	sld [smem:$0x3FAB]  }
0x31: {  	[smem:$0x3FB4] =	sst s10  }
0x32: {  	s10 =	sld [smem:$0x3FB2];
	_ =	sdelay $0x3  }
0x33: {  	p0 =	seq.s32 s10, $0x1;
	s10 =	sld [smem:$0x3FB4];
	_ =	sdelay $0x3  }
0x34: {  	[smem:$0x3FB4] =	sst s10  }
0x35: {  	s10 =	sld [smem:$0x3FB3];
	_ =	sdelay $0x3  }
0x36: {  	p1 =	seq.s32 s10, $0x1;
	s10 =	sld [smem:$0x3FB4];
	_ =	sdelay $0x3  }
0x37: {  	[smem:$0x3FB4] =	sst s10  }
0x38: {  	s10 =	sld [smem:$0x3FB5]  }
0x39: {  	_ = 	snop;
	(pc) =	sbr.ind lr, $3  }
0x3a: {  	_ = 	snop  }
0x3b: {  	_ = 	snop  }
0x3c: {  	p2 =	seq.s32 s10, $0x1;
	s10 =	sld [smem:$0x3FB4]  }
0x3d: {  	_ =	shalt  }
0x3e: {  	_ =	shalt  }
0x3f: {  	_ =	shalt  }
0x40: {  	_ =	shalt  }
0x41: {  	_ =	shalt  }
0x42: {  	_ =	shalt  }
0x43: {  	_ =	shalt  }
0x44: {  	_ =	shalt  }
0x45: {  	_ =	shalt  }
0x46: {  	_ =	shalt  }
0x47: {  	_ =	shalt  }
0x48: {  	_ =	shalt  }
0x49: {  	_ =	shalt  }
0x4a: {  	_ =	shalt  }
0x4b: {  	_ =	shalt  }
0x4c: {  	_ =	shalt  }
0x4d: {  	_ =	shalt  }
0x4e: {  	_ =	shalt  }
0x4f: {  	_ =	shalt  }
0x50: {  	_ =	shalt  }
0x51: {  	_ =	shalt  }
0x52: {  	_ =	shalt  }
0x53: {  	_ =	shalt  }
0x54: {  	_ =	shalt  }
0x55: {  	_ =	shalt  }
0x56: {  	_ =	shalt  }
0x57: {  	_ =	shalt  }
0x58: {  	_ =	shalt  }
0x59: {  	_ =	shalt  }
0x5a: {  	_ =	shalt  }
0x5b: {  	_ =	shalt  }
0x5c: {  	_ =	shalt  }
0x5d: {  	_ =	shalt  }
0x5e: {  	_ =	shalt  }
0x5f: {  	_ =	shalt  }
0x60: {  	_ =	shalt  }
0x61: {  	_ =	shalt  }
0x62: {  	_ =	shalt  }
0x63: {  	_ =	shalt  }
0x64: {  	_ =	shalt  }
0x65: {  	_ =	shalt  }
0x66: {  	_ =	shalt  }
0x67: {  	_ =	shalt  }
0x68: {  	_ =	shalt  }
0x69: {  	_ =	shalt  }
0x6a: {  	_ =	shalt  }
0x6b: {  	_ =	shalt  }
0x6c: {  	_ =	shalt  }
0x6d: {  	_ =	shalt  }
0x6e: {  	_ =	shalt  }
0x6f: {  	_ =	shalt  }
0x70: {  	_ =	shalt  }
0x71: {  	_ =	shalt  }
0x72: {  	_ =	shalt  }
0x73: {  	_ =	shalt  }
0x74: {  	_ =	shalt  }
0x75: {  	_ =	shalt  }
0x76: {  	_ =	shalt  }
0x77: {  	_ =	shalt  }
0x78: {  	_ =	shalt  }
0x79: {  	_ =	shalt  }
0x7a: {  	_ =	shalt  }
0x7b: {  	_ =	shalt  }
0x7c: {  	_ =	shalt  }
0x7d: {  	_ =	shalt  }
0x7e: {  	_ =	shalt  }
0x7f: {  	_ =	shalt  }
0x80: {  	_ =	shalt  }
0x81: {  	_ =	shalt  }
0x82: {  	_ =	shalt  }
0x83: {  	_ =	shalt  }
0x84: {  	_ =	shalt  }
0x85: {  	_ =	shalt  }
0x86: {  	_ =	shalt  }
0x87: {  	_ =	shalt  }
.Lfunc_end0:
.L_simem_size_0:
called_computation_lowered:
.L_overlay_start_0:
0x88: {  	s2 =	sld [smem:$0x3FD9]  }
0x89: {  	s3 =	sld [smem:$0x3FFE];
	_ =	sdelay $0x1  }
0x8a: {  	s1 =	srdreg.scid  }
0x8b: {  	s0 =	sand.u32 $0x1, s1  }
0x8c: {  	s16 =	sshll.u32 s0, $0xA;
	s2 =	sadd.s32 s3, s2  }
0x8d: {  	s2 =	sadd.s32 s2, s16  }
0x8e: {  	[smem:$0x3FC0] =	sst s2  }
0x8f: {  	_ = 	snop  }
0x90: {  	(tm) =	ssettm $0x1  }
0x91: {  	s17 =	sld [smem:$0x3FFB];
	_ =	sdelay $0x3  }
0x92: {  	_ =	strace s17  }
0x93: {  	s2 =	sld [smem:$0x3FFC];
	_ =	sdelay $0x3  }
0x94: {  	_ =	strace s2  }
0x95: {  	s2 =	sld [smem:$0x3FFD];
	_ =	sdelay $0x3  }
0x96: {  	_ =	strace s2  }
0x97: {  	_ =	strace $0x8FFFFFFF  }
0x98: {  	s18 =	sld [smem:$0x3FDB];
	_ =	sdelay $0x1  }
0x99: {  	s19 =	simm.s32 $_scs_section_size  }
0x9a: {  	s4 =	simm.s32 $_size__tile_overlayer_lowered;
	s5 =	simm.s32 $_tile_overlayer_lowered  }
0x9b: {  	s22 =	simm.s32 $0x1BFF;
	s21 =	sshll.u32 s5, $0x1;
	s2 =	sadd.s32 s19, s18  }
0x9c: {  	s6 =	simm.s32 $0x0;
	s20 =	sshll.u32 s4, $0x1;
	s4 =	sadd.s32 s21, s2  }
0x9d: {  	[timem:s6], [sflag:s22] =	dma.local [hbm:s4], s20  }
0x9e: {  	_ =	swait.ge [sflag:s22], s20  }
0x9f: {  	s3 =	ssub.s32 $0x0, s20;
	[sflag:s22] =	ssyncset.done $0x0  }
0xa0: {  	[sflag:s22] =	ssyncadd.s32 s3;
	_ =	sdelay $0x1  }
0xa1: {  	s23 =	simm.s32 $0x1B8B  }
0xa2: {  	_ =	swait.ge [sflag:s23], $0x1  }
0xa3: {  	[sflag:s23] =	ssyncset.done $0x0  }
0xa4: {  	s25 =	simm.s32 $0x1B8E;
	s24 =	sld [smem:$0x3FFE];
	[sflag:s23] =	ssyncadd.s32 $0xFFFFFFFF  }
0xa5: {  	s26 =	simm.s32 $execute0_lowered;
	[smem:$0x3FD2] =	sst s25  }
0xa6: {  	s4 =	sshll.u32 s26, $0x1;
	_ =	strace $0x80000046;
	[dreg:$0x1] =	wrdreg $0xFFFFFFFF  }
0xa7: {  	s28 =	simm.s32 $_size_execute0_lowered;
	s2 =	sadd.s32 s2, s4;
	[dreg:$0x0] =	wrdreg $0x0  }
0xa8: {  	s4 =	sshll.u32 s28, $0x1;
	[dreg:$0x2] =	wrdreg s2  }
0xa9: {  	[dreg:$0x3] =	wrdreg s4  }
0xaa: {  	[dreg:$0x4] =	wrdreg $0xC0  }
0xab: {  	_ =	task [dreg:s6], $0x5FFFF  }
0xac: {  	[dreg:$0x1] =	wrdreg $0xFFFFFFFF  }
0xad: {  	[dreg:$0x0] =	wrdreg $0x60  }
0xae: {  	[dreg:$0x2] =	wrdreg s24  }
0xaf: {  	[dreg:$0x3] =	wrdreg $0x9  }
0xb0: {  	_ =	task.clear_ibuf [dreg:s6], $0x4FFFF;
	_ =	strace $0x90000046  }
0xb1: {  	s29 =	simm.s32 $0x9;
	_ =	strace $0x80000048  }
0xb2: {  	_ =	swait.ge [sflag:s29], $0x1  }
0xb3: {  	[sflag:s29] =	ssyncadd.s32 $0xFFFFFFFF  }
0xb4: {  	_ =	strace $0x90000048  }
0xb5: {  	_ =	sfence  }
0xb6: {  	s30 =	sld [smem:$0x0];
	_ =	sdelay $0x2  }
0xb7: {  	s31 =	sshll.u32 s1, $0xD;
	s1 =	sshrl.u32 s1, $0x2  }
0xb8: {  	s3 =	sand.u32 $0x4000, s31;
	s1 =	sadd.s32 s1, s30  }
0xb9: {  	s0 =	sor.u32 s3, s0;
	s1 =	sshll.u32 s1, $0x11  }
0xba: {  	s0 =	sor.u32 s1, s0  }
0xbb: {  	s0 =	sadd.s32 $0x8F2B, s0  }
0xbc: {  	[sflag:s0] =	ssyncadd.remote.s32 $0x1  }
0xbd: {  	_ =	sfence.sel $0xFFFF  }
0xbe: {  	[dreg:$0x0] =	wrdreg $0xFFFFFFFF;
	(pc) =	sbr.abs _section_cstart, $3  }
0xbf: {  	[dreg:$0x1] =	wrdreg $0xFFFFFFFF  }
0xc0: {  	_ =	task.clear_ibuf [dreg:s6], $0x2FFFF;
	_ =	strace $0x9FFFFFFF  }
0xc1: {  	(tm) =	ssettm $0x7FFFFFFF  }
tec
execute0_lowered:
.L_overlay_start_1:
0x0: {  	(tag) =	ssettag $0x1  }
0x1: {  	s5 =	rddreg [dreg:$0x0]  }
0x2: {  	s0 =	rddreg [dreg:$0x1];
	s2 =	simm.s32 $0x0  }
0x3: {  	s3 =	srdreg.scid;
	s1 =	stileid.u32;
	s11 =	simm.s32 $0x80  }
0x4: {  	s12 =	simm.s32 $0x400;
	s13 =	simm.s32 $0x1;
	s14 =	simm.s32 $0x1480  }
0x5: {  	s15 =	simm.s32 $0x2900;
	s16 =	simm.s32 $0x3900;
	s17 =	simm.s32 $0x7200  }
0x6: {  	s18 =	simm.s32 $0x4900;
	s19 =	simm.s32 $0x5D80;
	s20 =	simm.s32 $0x0  }
0x7: {  	[smem:$0x7FF] =	sst s2;
	s6 =	sand.u32 $0x1, s3;
	s7 =	sshrl.u32 s1, $0x2  }
0x8: {  	s30 =	sshll.u32 s1, $0x8;
	s3 =	sadd.s32 $0xAE00, s5;
	s4 =	sshll.u32 s6, $0x7  }
0x9: {  	s8 =	sand.u32 $0x300, s30;
	s9 =	smul.u32 $0xA400, s7;
	_ =	strace $0x80000047  }
0xa: {  	s7 =	sshll.u32 s7, $0xA;
	s6 =	ssub.s32 $0x2, s6;
	s8 =	sor.u32 s4, s8  }
0xb: {  	s4 =	sadd.s32 $0xB000, s5;
	s31 =	sshrl.u32 s6, $0x1;
	s9 =	sor.u32 s9, s8  }
0xc: {  	s7 =	sor.u32 s7, s8;
	s10 =	ssub.s32 s6, s31;
	s9 =	sshrl.u32 s9, $0x3  }
0xd: {  	s7 =	sshrl.u32 s7, $0x3;
	s10 =	smax.u32 s10, $0x1;
	s9 =	sadd.s32 s9, s5  }
0xe: {  	s7 =	sadd.s32 s7, s5;
	s5 =	sadd.s32 $0x5C00, s9;
	s6 =	sadd.s32 $0xA00, s9  }
0xf: {  	s7 =	sadd.s32 $0x15600, s7;
	s8 =	sadd.s32 $0xB200, s9;
	s9 =	sadd.s32 $0x10400, s9  }
.LBB2_1:
0x10: {  	[tilespmem:s2], [sflag:$0x1] =	stream.strided.gather [hbm4b:s5+s11], $0x1480, s12, s11, $0x38;
	[tilespmem:$0x7280] =	vst v63  }
0x11: {  	_ =	swait.ge [sflag:s13], $0x1480  }
0x12: {  	[sflag:s13] =	ssyncset.done $0x0  }
0x13: {  	[sflag:s13] =	ssyncadd.s32 $0xFFFFEB80  }
0x14: {  	[tilespmem:s14], [sflag:$0x1] =	stream.strided.gather [hbm4b:s6+s11], $0x1480, s12, s11, $0x38;
	[tilespmem:$0x7280] =	vst v63  }
0x15: {  	_ =	swait.ge [sflag:s13], $0x1480  }
0x16: {  	[sflag:s13] =	ssyncset.done $0x0  }
0x17: {  	[sflag:s13] =	ssyncadd.s32 $0xFFFFEB80  }
0x18: {  	[tilespmem:s15], [sflag:$0x1] =	stream.linear.gather [hbm4b:s3+s2], $0x1000, $0x38;
	[tilespmem:$0x7280] =	vst v63  }
0x19: {  	_ =	swait.ge [sflag:s13], $0x1000  }
0x1a: {  	[sflag:s13] =	ssyncset.done $0x0  }
0x1b: {  	[sflag:s13] =	ssyncadd.s32 $0xFFFFF000  }
0x1c: {  	[tilespmem:s16], [sflag:$0x1] =	stream.linear.gather [hbm4b:s4+s2], $0x1000, $0x38;
	[tilespmem:$0x7280] =	vst v63  }
0x1d: {  	_ =	swait.ge [sflag:s13], $0x1000  }
0x1e: {  	[sflag:s13] =	ssyncset.done $0x0  }
0x1f: {  	s22 =	simm.s32 $0x0;
	[sflag:s13] =	ssyncadd.s32 $0xFFFFF000  }
0x20: {  	v2 =	vld [tilespmem:s22+$0x0]  }
0x21: {  	v4 =	vld [tilespmem:s22+$0x1480];
	_ =	sdelay $0x3  }
0x22: {  	v0 =	vshll.u32 v2, $0xC  }
0x23: {  	v0 =	vadd.s32 v4, v0  }
0x24: {  	s21 =	simm.s32 $0x10;
	[tilespmem:s22+$0x4900] =	vst v0  }
0x25: {  	v0 =	vld [tilespmem:s21+$0x0]  }
0x26: {  	v1 =	vld [tilespmem:s21+$0x1480];
	_ =	sdelay $0x3  }
0x27: {  	v5 =	vshll.u32 v0, $0xC  }
0x28: {  	v3 =	vld.idx.msk [tilespmem:v2+s15+$0x0], $0xffff;
	v5 =	vadd.s32 v1, v5  }
0x29: {  	s23 =	simm.s32 $0x80;
	v4 =	vld.idx.msk [tilespmem:v4+s16+$0x0], $0xffff;
	v2 =	vimm.f32 $-2.000000000e+00;
	[tilespmem:s21+$0x4900] =	vst v5  }
.LBB2_2:
0x2a: {  	p0 =	sne.s32 s23, $0x51C0  }
0x2b: {  	s24 =	sshra.s32 s23, $0x2  }
0x2c: {  	v5 =	vld [tilespmem:s24+$0x0]  }
0x2d: {  	v6 =	vld [tilespmem:s24+$0x1480]  }
0x2e: {  	v3 =	vmul.f32 v4, v3  }
.Ltmp0:
0x2f: {  	(pc) =	sbr.rel @p0 .LBB2_2-.Ltmp0, $4  }
0x30: {  	v2 =	vmax.f32 v2, v3;
	[tilespmem:s22+$0x5D80] =	vst v3;
	s22 =	smov.u32 s21;
	s21 =	smov.u32 s24  }
0x31: {  	v4 =	vshll.u32 v5, $0xC;
	v3 =	vld.idx.msk [tilespmem:v0+s15+$0x0], $0xffff;
	v0 =	vmov v5  }
0x32: {  	v5 =	vadd.s32 v6, v4;
	v4 =	vld.idx.msk [tilespmem:v1+s16+$0x0], $0xffff;
	v1 =	vmov v6  }
0x33: {  	s23 =	sadd.s32 $0x40, s23;
	[tilespmem:s21+$0x4900] =	vst v5  }
0x34: {  	_ =	sdelay $0x2  }
0x35: {  	v3 =	vmul.f32 v4, v3;
	_ =	sdelay $0x1  }
0x36: {  	[tilespmem:s22+$0x5D80] =	vst v3  }
0x37: {  	v0 =	vld.idx.msk [tilespmem:v0+s15+$0x0], $0xffff  }
0x38: {  	v1 =	vld.idx.msk [tilespmem:v1+s16+$0x0], $0xffff;
	_ =	sdelay $0x4  }
0x39: {  	v0 =	vmul.f32 v1, v0  }
0x3a: {  	v63 =	vmax.f32 v2, v3  }
0x3b: {  	v1 =	vmax.f32 v63, v0  }
0x3c: {  	(xrf0) =	vmax.scan.msk.f32 $0xffff, v1;
	_ =	sdelay $0x5  }
0x3d: {  	v1, _, _ =	vpop (xrf0)  }
0x3e: {  	v1 =	vbroadcast v1, $0xF  }
0x3f: {  	[tilespmem:s21+$0x5D80] =	vst v0  }
0x40: {  	[tilespmem:$0x7200] =	vst v1  }
0x41: {  	[hbm4b:s7+s2] =	stream.linear.scatter [tilespmem:s17], [sflag:$0x1], $0x80, $0x38;
	[tilespmem:$0x7280] =	vst v63  }
0x42: {  	_ =	swait.ge [sflag:s13], $0x80  }
0x43: {  	[sflag:s13] =	ssyncset.done $0x0  }
0x44: {  	[sflag:s13] =	ssyncadd.s32 $0xFFFFFF80  }
0x45: {  	[hbm4b:s8+s11] =	stream.strided.scatter [tilespmem:s18], [sflag:$0x1], $0x1480, s12, s11, $0x38;
	[tilespmem:$0x7280] =	vst v63  }
0x46: {  	s20 =	sadd.s32 $0x1, s20;
	_ =	swait.ge [sflag:s13], $0x1480  }
0x47: {  	p0 =	sne.s32 s20, s10;
	[sflag:s13] =	ssyncset.done $0x0  }
.Ltmp1:
0x48: {  	[sflag:s13] =	ssyncadd.s32 $0xFFFFEB80;
	(pc) =	sbr.rel @p0 .LBB2_1-.Ltmp1, $4  }
0x49: {  	[hbm4b:s9+s11] =	stream.strided.scatter [tilespmem:s19], [sflag:$0x1], $0x1480, s12, s11, $0x38;
	[tilespmem:$0x7280] =	vst v63  }
0x4a: {  	_ =	swait.ge [sflag:s13], $0x1480  }
0x4b: {  	[sflag:s13] =	ssyncset.done $0x0  }
0x4c: {  	[sflag:s13] =	ssyncadd.s32 $0xFFFFEB80  }
0x4d: {  	_ =	sfence.sel $0x180000  }
0x4e: {  	[bflag:$0x0] =	sbarrier.arrive $0xFFFF  }
0x4f: {  	p0 =	sne.s32 s1, $0x0;
	_ =	strace $0x90000047  }
0x50: {  	s0 =	sadd.s32 @!p0 $0x100000, s0;
	[bflag:$0x2] =	sbarrier.arrive $0xFFFF  }
0x51: {  	[sflag:s0] =	ssyncadd.tile.s32 @!p0 $0x1;
	_ =	shalt  }
.Lfunc_end2:
_tile_overlayer_lowered:
.L_overlay_start_2:
0x52: {  	(tag) =	ssettag $0x2  }
0x53: {  	s0 =	rddreg [dreg:$0x0];
	s2 =	stileid.u32  }
0x54: {  	s1 =	rddreg [dreg:$0x1];
	p0 =	sne.s32 s2, $0x0  }
0x55: {  	s3 =	rddreg [dreg:$0x2];
	[bflag:$0x3] =	sbarrier.arrive $0xFFFF;
	s2 =	simm.s32 @!p0 $0x1C01  }
0x56: {  	[timem:s3], [sflag:s2] =	dma.local @!p0 [hbm:s0], s1  }
0x57: {  	s0 =	simm.s32 @!p0 $0x1  }
0x58: {  	_ =	swait.ge @!p0 [sflag:s0], s1  }
0x59: {  	s1 =	ssub.s32 @!p0 $0x0, s1;
	[sflag:s0] =	ssyncset.done @!p0 $0x0  }
0x5a: {  	[sflag:s0] =	ssyncadd.s32 @!p0 s1  }
0x5b: {  	[bflag:$0x3] =	sbarrier.arrive $0xFFFF  }
0x5c: {  	_ =	shalt  }

</sc_bundles>
